<compile_context>
chip_gen: v7x
topology: tpu7x:2x2x1
jax: 0.10.2.dev20260603
libtpu: 0.0.44.dev20260713+nightly
codegen_flags: <defaults>
</compile_context>

<pallas_src>
import functools

import jax
import jax.numpy as jnp
from jax import lax
from jax.experimental import pallas as pl
from jax.experimental.pallas import tpu as pltpu
from jax.experimental.pallas import tpu_sc as plsc

EMB = 64
MAX_NORM = EMB * 0.1
NC = 2
NS = 16
L = 16
NW = NC * NS
CH = 64


def _rsqrt_newton(x):
    i = lax.bitcast_convert_type(x, jnp.uint32)
    i = jnp.uint32(0x5F3759DF) - lax.shift_right_logical(i, jnp.uint32(1))
    y = lax.bitcast_convert_type(i, jnp.float32)
    half = jnp.float32(0.5) * x
    for _ in range(3):
        y = y * (jnp.float32(1.5) - half * y * y)
    return y


def _dssm_body(uid_hbm, nid_hbm, user_hbm, item_hbm, out_hbm,
               uidx_v, nidx_v, upair_v, npair_v, ubuf, ibuf, out_v,
               tbuf_u, tbuf_i, tbuf_d, sem_u, sem_i, bpw):
    wid = lax.axis_index("s") * NC + lax.axis_index("c")
    base = wid * bpw
    nchunks = bpw // CH

    pltpu.sync_copy(uid_hbm.at[pl.ds(base, bpw)], uidx_v)
    pltpu.sync_copy(nid_hbm.at[pl.ds(base, bpw)], nidx_v)

    def pairs(v, carry):
        k = v // (CH // L)
        c = v % (CH // L)
        sl = pl.ds(v * L, L)
        upair_v[k, pl.ds(c * L, L)] = lax.shift_right_logical(uidx_v[sl], 1)
        npair_v[k, pl.ds(c * L, L)] = lax.shift_right_logical(nidx_v[sl], 1)
        return carry

    lax.fori_loop(0, bpw // L, pairs, 0, unroll=False)

    maxn = jnp.float32(MAX_NORM)
    eps = jnp.float32(1e-7)
    one = jnp.float32(1.0)
    lanes = lax.iota(jnp.int32, L)

    def chunk(k, carry):
        cu = pltpu.async_copy(user_hbm.at[upair_v.at[k]], ubuf, sem_u)
        ci = pltpu.async_copy(item_hbm.at[npair_v.at[k]], ibuf, sem_i)
        cu.wait()
        ci.wait()

        def grp(g, carry2):
            uoff = (uidx_v[pl.ds(k * CH + g * L, L)] & 1) * EMB
            noff = (nidx_v[pl.ds(k * CH + g * L, L)] & 1) * EMB
            for t in range(L):
                j = g * L + t
                ub = uoff[t]
                nb = noff[t]
                u0 = ubuf[j, pl.ds(ub, L)]
                u1 = ubuf[j, pl.ds(ub + L, L)]
                u2 = ubuf[j, pl.ds(ub + 2 * L, L)]
                u3 = ubuf[j, pl.ds(ub + 3 * L, L)]
                i0 = ibuf[j, pl.ds(nb, L)]
                i1 = ibuf[j, pl.ds(nb + L, L)]
                i2 = ibuf[j, pl.ds(nb + 2 * L, L)]
                i3 = ibuf[j, pl.ds(nb + 3 * L, L)]
                su = (u0 * u0 + u1 * u1) + (u2 * u2 + u3 * u3)
                si = (i0 * i0 + i1 * i1) + (i2 * i2 + i3 * i3)
                sd = (u0 * i0 + u1 * i1) + (u2 * i2 + u3 * i3)
                col = jnp.full((L,), t, jnp.int32)
                plsc.store_scatter(tbuf_u, [lanes, col], su)
                plsc.store_scatter(tbuf_i, [lanes, col], si)
                plsc.store_scatter(tbuf_d, [lanes, col], sd)
            accu = tbuf_u[0, pl.ds(0, L)]
            acci = tbuf_i[0, pl.ds(0, L)]
            accd = tbuf_d[0, pl.ds(0, L)]
            for t in range(1, L):
                accu = accu + tbuf_u[t, pl.ds(0, L)]
                acci = acci + tbuf_i[t, pl.ds(0, L)]
                accd = accd + tbuf_d[t, pl.ds(0, L)]
            norm_u = accu * _rsqrt_newton(accu)
            norm_i = acci * _rsqrt_newton(acci)
            scale_u = jnp.minimum(one, maxn / (norm_u + eps))
            scale_i = jnp.minimum(one, maxn / (norm_i + eps))
            y = accd * (scale_u * scale_i)
            out_v[pl.ds(k * CH + g * L, L)] = one / (one + jnp.exp(-y))
            return carry2

        lax.fori_loop(0, CH // L, grp, 0, unroll=False)
        return carry

    lax.fori_loop(0, nchunks, chunk, 0, unroll=False)

    pltpu.sync_copy(out_v, out_hbm.at[pl.ds(base, bpw)])


def kernel(uid, nid, user_emb, item_emb):
    b = uid.shape[0]
    bpw = b // NW
    user2 = user_emb.reshape(user_emb.shape[0] // 2, 2 * EMB)
    item2 = item_emb.reshape(item_emb.shape[0] // 2, 2 * EMB)
    mesh = plsc.VectorSubcoreMesh(core_axis_name="c", subcore_axis_name="s")
    k = functools.partial(
        pl.kernel,
        out_type=jax.ShapeDtypeStruct((b,), jnp.float32),
        mesh=mesh,
        compiler_params=pltpu.CompilerParams(needs_layout_passes=False),
        scratch_types=[
            pltpu.VMEM((bpw,), jnp.int32),
            pltpu.VMEM((bpw,), jnp.int32),
            pltpu.VMEM((bpw // CH, CH), jnp.int32),
            pltpu.VMEM((bpw // CH, CH), jnp.int32),
            pltpu.VMEM((CH, 2 * EMB), jnp.float32),
            pltpu.VMEM((CH, 2 * EMB), jnp.float32),
            pltpu.VMEM((bpw,), jnp.float32),
            pltpu.VMEM((L, L + 1), jnp.float32),
            pltpu.VMEM((L, L + 1), jnp.float32),
            pltpu.VMEM((L, L + 1), jnp.float32),
            pltpu.SemaphoreType.DMA,
            pltpu.SemaphoreType.DMA,
        ],
    )(functools.partial(_dssm_body, bpw=bpw))
    return k(uid.astype(jnp.int32), nid.astype(jnp.int32), user2, item2)

# --- scband reference (transcript-rebuilt; emitter-appended) ---
"""Pipeline reference for scband-uid-nid-dssm-37855841747516 (READ-ONLY COPY).

The authoritative reference and input builder live on the scoring server;
editing this copy changes nothing except your own understanding.
"""

import jax, jax.numpy as jnp
import numpy as np

USER_COUNT = 1000000
MOVIE_COUNT = 100000
EMBEDDING_SIZE = 64
MAX_NORM = EMBEDDING_SIZE * 0.1


def _renorm(emb, max_norm):
    # Emulates torch nn.Embedding max_norm: rescale rows whose L2 norm exceeds max_norm
    norms = jnp.linalg.norm(emb, axis=-1, keepdims=True)
    scale = jnp.minimum(1.0, max_norm / (norms + 1e-7))
    return emb * scale


def setup_inputs(seed: int = 0) -> dict:
    key = jax.random.key(seed)
    k1, k2, k3, k4 = jax.random.split(key, 4)
    uid = jax.random.randint(k1, (16384,), 0, USER_COUNT, dtype=jnp.int64 if jax.config.read('jax_enable_x64') else jnp.int32)
    nid = jax.random.randint(k2, (16384,), 0, MOVIE_COUNT, dtype=jnp.int64 if jax.config.read('jax_enable_x64') else jnp.int32)
    user_emb = jax.random.normal(k3, (USER_COUNT, EMBEDDING_SIZE), dtype=jnp.float32)
    item_emb = jax.random.normal(k4, (MOVIE_COUNT, EMBEDDING_SIZE), dtype=jnp.float32)
    return {"uid": uid, "nid": nid, "user_emb": user_emb, "item_emb": item_emb}


def reference(uid, nid, user_emb, item_emb):
    u_emb = jnp.take(user_emb, uid, axis=0)
    u_emb = _renorm(u_emb, MAX_NORM)
    i_emb = jnp.take(item_emb, nid, axis=0)
    i_emb = _renorm(i_emb, MAX_NORM)
    y = (u_emb * i_emb).sum(axis=1)
    y = jax.nn.sigmoid(y)
    return y

if __name__ == "__main__":
    import jax
    _d = setup_inputs()
    print(jax.jit(kernel)(*tuple(_d.values())))

</pallas_src>

<mosaic_0001>
#map = affine_map<(d0, d1) -> (0)>
#map1 = affine_map<(d0, d1) -> (0, 0)>
module attributes {stable_mosaic.version = 14 : i64} {
  func.func @_dssm_body(%arg0: i32, %arg1: i32, %arg2: memref<16384xi32, #tpu.memory_space<hbm>>, %arg3: memref<16384xi32, #tpu.memory_space<hbm>>, %arg4: memref<500000x128xf32, #tpu.memory_space<hbm>>, %arg5: memref<50000x128xf32, #tpu.memory_space<hbm>>, %arg6: memref<16384xf32, #tpu.memory_space<hbm>>, %arg7: memref<512xi32, #tpu.memory_space<vmem>>, %arg8: memref<512xi32, #tpu.memory_space<vmem>>, %arg9: memref<8x64xi32, #tpu.memory_space<vmem>>, %arg10: memref<8x64xi32, #tpu.memory_space<vmem>>, %arg11: memref<64x128xf32, #tpu.memory_space<vmem>>, %arg12: memref<64x128xf32, #tpu.memory_space<vmem>>, %arg13: memref<512xf32, #tpu.memory_space<vmem>>, %arg14: memref<16x17xf32, #tpu.memory_space<vmem>>, %arg15: memref<16x17xf32, #tpu.memory_space<vmem>>, %arg16: memref<16x17xf32, #tpu.memory_space<vmem>>, %arg17: memref<!tpu.dma_semaphore, #tpu.memory_space<semaphore_mem>>, %arg18: memref<!tpu.dma_semaphore, #tpu.memory_space<semaphore_mem>>) attributes {dimension_semantics = [#tpu.dimension_semantics<core_parallel>, #tpu.dimension_semantics<subcore_parallel>], iteration_bounds = array<i64: 2, 16>, scalar_prefetch = 0 : i64, scratch_operands = 12 : i64, tpu.core_type = #tpu.core_type<sc_vector_subcore>, window_params = [{transform_indices = #map}, {transform_indices = #map}, {transform_indices = #map1}, {transform_indices = #map1}, {transform_indices = #map}]} {
    %mul3A = arith.constant 2 : i32
    %mul3A_0 = arith.muli %arg1, %mul3A : i32
    %add3A = arith.addi %mul3A_0, %arg0 : i32
    %mul3A_1 = arith.constant 512 : i32
    %mul3A_2 = arith.muli %add3A, %mul3A_1 : i32
    "tpu.region"() ({
      %run_scoped3A = tpu.sem_alloc : memref<!tpu.dma_semaphore, #tpu.memory_space<semaphore_mem>>
      %dma_start3A = tpu.memref_slice %arg2[%mul3A_2] : memref<16384xi32, #tpu.memory_space<hbm>> -> memref<512xi32, #tpu.memory_space<hbm>>
      %dma_start3A_17 = tpu.memref_slice %arg2[%mul3A_2] : memref<16384xi32, #tpu.memory_space<hbm>> -> memref<512xi32, #tpu.memory_space<hbm>>
      tpu.enqueue_dma source(%dma_start3A_17 : memref<512xi32, #tpu.memory_space<hbm>>) target(%arg7 : memref<512xi32, #tpu.memory_space<vmem>>) target_semaphore(%run_scoped3A : memref<!tpu.dma_semaphore, #tpu.memory_space<semaphore_mem>>)
      %dma_wait3A = tpu.memref_slice %arg2[%mul3A_2] : memref<16384xi32, #tpu.memory_space<hbm>> -> memref<512xi32, #tpu.memory_space<hbm>>
      %dma_wait3A_18 = tpu.memref_slice %arg2[%mul3A_2] : memref<16384xi32, #tpu.memory_space<hbm>> -> memref<512xi32, #tpu.memory_space<hbm>>
      tpu.wait_dma2 semaphore(%run_scoped3A : memref<!tpu.dma_semaphore, #tpu.memory_space<semaphore_mem>>) src(%dma_wait3A_18 : memref<512xi32, #tpu.memory_space<hbm>>) dst(%arg7 : memref<512xi32, #tpu.memory_space<vmem>>)
      tpu.yield
    }) : () -> ()
    "tpu.region"() ({
      %run_scoped3A = tpu.sem_alloc : memref<!tpu.dma_semaphore, #tpu.memory_space<semaphore_mem>>
      %dma_start3A = tpu.memref_slice %arg3[%mul3A_2] : memref<16384xi32, #tpu.memory_space<hbm>> -> memref<512xi32, #tpu.memory_space<hbm>>
      %dma_start3A_17 = tpu.memref_slice %arg3[%mul3A_2] : memref<16384xi32, #tpu.memory_space<hbm>> -> memref<512xi32, #tpu.memory_space<hbm>>
      tpu.enqueue_dma source(%dma_start3A_17 : memref<512xi32, #tpu.memory_space<hbm>>) target(%arg8 : memref<512xi32, #tpu.memory_space<vmem>>) target_semaphore(%run_scoped3A : memref<!tpu.dma_semaphore, #tpu.memory_space<semaphore_mem>>)
      %dma_wait3A = tpu.memref_slice %arg3[%mul3A_2] : memref<16384xi32, #tpu.memory_space<hbm>> -> memref<512xi32, #tpu.memory_space<hbm>>
      %dma_wait3A_18 = tpu.memref_slice %arg3[%mul3A_2] : memref<16384xi32, #tpu.memory_space<hbm>> -> memref<512xi32, #tpu.memory_space<hbm>>
      tpu.wait_dma2 semaphore(%run_scoped3A : memref<!tpu.dma_semaphore, #tpu.memory_space<semaphore_mem>>) src(%dma_wait3A_18 : memref<512xi32, #tpu.memory_space<hbm>>) dst(%arg8 : memref<512xi32, #tpu.memory_space<vmem>>)
      tpu.yield
    }) : () -> ()
    %scan3A = arith.constant 0 : i32
    %scan3A_3 = arith.constant 0 : i32
    %scan3A_4 = arith.constant 32 : i32
    %scan3A_5 = arith.addi %scan3A_3, %scan3A_4 : i32
    %scan3A_6 = arith.constant 1 : i32
    scf.for %scan3A_17 = %scan3A_3 to %scan3A_5 step %scan3A_6  : i32 {
      %jit3A = arith.constant 4 : i32
      %div3A = arith.divsi %scan3A_17, %jit3A : i32
      %sign3A = arith.constant 0 : i32
      %sign3A_18 = arith.cmpi sgt, %scan3A_17, %sign3A : i32
      %sign3A_19 = arith.extui %sign3A_18 : i1 to i32
      %sign3A_20 = arith.constant 0 : i32
      %sign3A_21 = arith.cmpi slt, %scan3A_17, %sign3A_20 : i32
      %sign3A_22 = arith.extui %sign3A_21 : i1 to i32
      %sign3A_23 = arith.subi %sign3A_19, %sign3A_22 : i32
      %sign3A_24 = arith.constant 0 : i32
      %sign3A_25 = arith.cmpi sgt, %jit3A, %sign3A_24 : i32
      %sign3A_26 = arith.extui %sign3A_25 : i1 to i32
      %sign3A_27 = arith.constant 0 : i32
      %sign3A_28 = arith.cmpi slt, %jit3A, %sign3A_27 : i32
      %sign3A_29 = arith.extui %sign3A_28 : i1 to i32
      %sign3A_30 = arith.subi %sign3A_26, %sign3A_29 : i32
      %ne3A = arith.cmpi ne, %sign3A_23, %sign3A_30 : i32
      %rem3A = arith.remsi %scan3A_17, %jit3A : i32
      %ne3A_31 = arith.constant 0 : i32
      %ne3A_32 = arith.cmpi ne, %rem3A, %ne3A_31 : i32
      %and3A = arith.andi %ne3A, %ne3A_32 : i1
      %sub3A = arith.constant 1 : i32
      %sub3A_33 = arith.subi %div3A, %sub3A : i32
      %select_n3A = arith.select %and3A, %sub3A_33, %div3A : i32
      %jit3A_34 = arith.constant 4 : i32
      %eq3A = arith.constant 0 : i32
      %eq3A_35 = arith.cmpi eq, %jit3A_34, %eq3A : i32
      %jit3A_36 = arith.constant 1 : i32
      %select_n3A_37 = arith.select %eq3A_35, %jit3A_36, %jit3A_34 : i32
      %rem3A_38 = arith.remsi %scan3A_17, %select_n3A_37 : i32
      %ne3A_39 = arith.constant 0 : i32
      %ne3A_40 = arith.cmpi ne, %rem3A_38, %ne3A_39 : i32
      %lt3A = arith.constant 0 : i32
      %lt3A_41 = arith.cmpi slt, %rem3A_38, %lt3A : i32
      %lt3A_42 = arith.constant 0 : i32
      %lt3A_43 = arith.cmpi slt, %select_n3A_37, %lt3A_42 : i32
      %ne3A_44 = arith.xori %lt3A_41, %lt3A_43 : i1
      %and3A_45 = arith.andi %ne3A_44, %ne3A_40 : i1
      %add3A_46 = arith.addi %rem3A_38, %select_n3A_37 : i32
      %select_n3A_47 = arith.select %and3A_45, %add3A_46, %rem3A_38 : i32
      %mul3A_48 = arith.constant 16 : i32
      %mul3A_49 = arith.muli %scan3A_17, %mul3A_48 : i32
      %get3A = arith.index_cast %mul3A_49 : i32 to index
      %get3A_50 = tpu.vector_load %arg7[%get3A] {strides = array<i32>} : memref<512xi32, #tpu.memory_space<vmem>>, vector<16xi32>,
      %shift_right_logical3A = arith.constant 1 : i32
      %shift_right_logical3A_51 = vector.broadcast %shift_right_logical3A : i32 to vector<16xi32>
      %shift_right_logical3A_52 = arith.shrui %get3A_50, %shift_right_logical3A_51 : vector<16xi32>
      %mul3A_53 = arith.constant 16 : i32
      %mul3A_54 = arith.muli %select_n3A_47, %mul3A_53 : i32
      %swap3A = arith.index_cast %select_n3A : i32 to index
      %swap3A_55 = arith.index_cast %mul3A_54 : i32 to index
      %swap3A_56 = tpu.vector_load %arg9[%swap3A, %swap3A_55] {strides = array<i32>} : memref<8x64xi32, #tpu.memory_space<vmem>>, vector<16xi32>,
      tpu.vector_store %arg9[%swap3A, %swap3A_55], %shift_right_logical3A_52 {strides = array<i32>} : memref<8x64xi32, #tpu.memory_space<vmem>>, vector<16xi32>,
      %get3A_57 = arith.index_cast %mul3A_49 : i32 to index
      %get3A_58 = tpu.vector_load %arg8[%get3A_57] {strides = array<i32>} : memref<512xi32, #tpu.memory_space<vmem>>, vector<16xi32>,
      %shift_right_logical3A_59 = arith.constant 1 : i32
      %shift_right_logical3A_60 = vector.broadcast %shift_right_logical3A_59 : i32 to vector<16xi32>
      %shift_right_logical3A_61 = arith.shrui %get3A_58, %shift_right_logical3A_60 : vector<16xi32>
      %mul3A_62 = arith.constant 16 : i32
      %mul3A_63 = arith.muli %select_n3A_47, %mul3A_62 : i32
      %swap3A_64 = arith.index_cast %select_n3A : i32 to index
      %swap3A_65 = arith.index_cast %mul3A_63 : i32 to index
      %swap3A_66 = tpu.vector_load %arg10[%swap3A_64, %swap3A_65] {strides = array<i32>} : memref<8x64xi32, #tpu.memory_space<vmem>>, vector<16xi32>,
      tpu.vector_store %arg10[%swap3A_64, %swap3A_65], %shift_right_logical3A_61 {strides = array<i32>} : memref<8x64xi32, #tpu.memory_space<vmem>>, vector<16xi32>,
    }
    %scan3A_7 = arith.constant 32 : i32
    %iota3A = tpu.iota {dimensions = array<i32: 0>} : vector<16xi32>
    %scan3A_8 = arith.constant 0 : i32
    %scan3A_9 = arith.constant 1.000000e-07 : f32
    %scan3A_10 = arith.constant 6.400000e+00 : f32
    %scan3A_11 = arith.constant 1.000000e+00 : f32
    %scan3A_12 = arith.constant 0 : i32
    %scan3A_13 = arith.constant 8 : i32
    %scan3A_14 = arith.addi %scan3A_12, %scan3A_13 : i32
    %scan3A_15 = arith.constant 1 : i32
    scf.for %scan3A_17 = %scan3A_12 to %scan3A_14 step %scan3A_15  : i32 {
      %dma_start3A = arith.constant 0 : i32
      %dma_start3A_18 = tpu.memref_slice %arg9[%scan3A_17, %dma_start3A] : memref<8x64xi32, #tpu.memory_space<vmem>> -> memref<1x64xi32, #tpu.memory_space<vmem>>
      %dma_start3A_19 = tpu.memref_squeeze %dma_start3A_18 : memref<1x64xi32, #tpu.memory_space<vmem>> -> memref<64xi32, #tpu.memory_space<vmem>>
      %dma_start3A_20 = arith.constant 0 : i32
      %dma_start3A_21 = arith.constant 0 : i32
      %dma_start3A_22 = tpu.memref_slice %arg4[%dma_start3A_20, %dma_start3A_21] : memref<500000x128xf32, #tpu.memory_space<hbm>> -> memref<500000x128xf32, #tpu.memory_space<hbm>>
      tpu.enqueue_indirect_dma source(%dma_start3A_22 : memref<500000x128xf32, #tpu.memory_space<hbm>>) target(%arg11 : memref<64x128xf32, #tpu.memory_space<vmem>>) offsets(%dma_start3A_19 : memref<64xi32, #tpu.memory_space<vmem>>) semaphore(%arg17 : memref<!tpu.dma_semaphore, #tpu.memory_space<semaphore_mem>>)
      %dma_start3A_23 = arith.constant 0 : i32
      %dma_start3A_24 = tpu.memref_slice %arg10[%scan3A_17, %dma_start3A_23] : memref<8x64xi32, #tpu.memory_space<vmem>> -> memref<1x64xi32, #tpu.memory_space<vmem>>
      %dma_start3A_25 = tpu.memref_squeeze %dma_start3A_24 : memref<1x64xi32, #tpu.memory_space<vmem>> -> memref<64xi32, #tpu.memory_space<vmem>>
      %dma_start3A_26 = arith.constant 0 : i32
      %dma_start3A_27 = arith.constant 0 : i32
      %dma_start3A_28 = tpu.memref_slice %arg5[%dma_start3A_26, %dma_start3A_27] : memref<50000x128xf32, #tpu.memory_space<hbm>> -> memref<50000x128xf32, #tpu.memory_space<hbm>>
      tpu.enqueue_indirect_dma source(%dma_start3A_28 : memref<50000x128xf32, #tpu.memory_space<hbm>>) target(%arg12 : memref<64x128xf32, #tpu.memory_space<vmem>>) offsets(%dma_start3A_25 : memref<64xi32, #tpu.memory_space<vmem>>) semaphore(%arg18 : memref<!tpu.dma_semaphore, #tpu.memory_space<semaphore_mem>>)
      %dma_wait3A = arith.constant 0 : i32
      %dma_wait3A_29 = tpu.memref_slice %arg9[%scan3A_17, %dma_wait3A] : memref<8x64xi32, #tpu.memory_space<vmem>> -> memref<1x64xi32, #tpu.memory_space<vmem>>
      %dma_wait3A_30 = tpu.memref_squeeze %dma_wait3A_29 : memref<1x64xi32, #tpu.memory_space<vmem>> -> memref<64xi32, #tpu.memory_space<vmem>>
      %dma_wait3A_31 = arith.constant 0 : i32
      %dma_wait3A_32 = arith.constant 0 : i32
      %dma_wait3A_33 = tpu.memref_slice %arg4[%dma_wait3A_31, %dma_wait3A_32] : memref<500000x128xf32, #tpu.memory_space<hbm>> -> memref<500000x128xf32, #tpu.memory_space<hbm>>
      tpu.wait_indirect_dma semaphore(%arg17 : memref<!tpu.dma_semaphore, #tpu.memory_space<semaphore_mem>>) src(%dma_wait3A_33 : memref<500000x128xf32, #tpu.memory_space<hbm>>) dst(%arg11 : memref<64x128xf32, #tpu.memory_space<vmem>>)
      %dma_wait3A_34 = arith.constant 0 : i32
      %dma_wait3A_35 = tpu.memref_slice %arg10[%scan3A_17, %dma_wait3A_34] : memref<8x64xi32, #tpu.memory_space<vmem>> -> memref<1x64xi32, #tpu.memory_space<vmem>>
      %dma_wait3A_36 = tpu.memref_squeeze %dma_wait3A_35 : memref<1x64xi32, #tpu.memory_space<vmem>> -> memref<64xi32, #tpu.memory_space<vmem>>
      %dma_wait3A_37 = arith.constant 0 : i32
      %dma_wait3A_38 = arith.constant 0 : i32
      %dma_wait3A_39 = tpu.memref_slice %arg5[%dma_wait3A_37, %dma_wait3A_38] : memref<50000x128xf32, #tpu.memory_space<hbm>> -> memref<50000x128xf32, #tpu.memory_space<hbm>>
      tpu.wait_indirect_dma semaphore(%arg18 : memref<!tpu.dma_semaphore, #tpu.memory_space<semaphore_mem>>) src(%dma_wait3A_39 : memref<50000x128xf32, #tpu.memory_space<hbm>>) dst(%arg12 : memref<64x128xf32, #tpu.memory_space<vmem>>)
      %scan3A_40 = arith.constant 0 : i32
      %scan3A_41 = arith.constant 0 : i32
      %scan3A_42 = arith.constant 4 : i32
      %scan3A_43 = arith.addi %scan3A_41, %scan3A_42 : i32
      %scan3A_44 = arith.constant 1 : i32
      scf.for %scan3A_46 = %scan3A_41 to %scan3A_43 step %scan3A_44  : i32 {
        %mul3A_47 = arith.constant 64 : i32
        %mul3A_48 = arith.muli %scan3A_17, %mul3A_47 : i32
        %mul3A_49 = arith.constant 16 : i32
        %mul3A_50 = arith.muli %scan3A_46, %mul3A_49 : i32
        %add3A_51 = arith.addi %mul3A_48, %mul3A_50 : i32
        %get3A = arith.index_cast %add3A_51 : i32 to index
        %get3A_52 = tpu.vector_load %arg7[%get3A] {strides = array<i32>} : memref<512xi32, #tpu.memory_space<vmem>>, vector<16xi32>,
        %and3A = arith.constant 1 : i32
        %and3A_53 = vector.broadcast %and3A : i32 to vector<16xi32>
        %and3A_54 = arith.andi %get3A_52, %and3A_53 : vector<16xi32>
        %mul3A_55 = arith.constant 64 : i32
        %mul3A_56 = vector.broadcast %mul3A_55 : i32 to vector<16xi32>
        %mul3A_57 = arith.muli %and3A_54, %mul3A_56 : vector<16xi32>
        %mul3A_58 = arith.constant 64 : i32
        %mul3A_59 = arith.muli %scan3A_17, %mul3A_58 : i32
        %mul3A_60 = arith.constant 16 : i32
        %mul3A_61 = arith.muli %scan3A_46, %mul3A_60 : i32
        %add3A_62 = arith.addi %mul3A_59, %mul3A_61 : i32
        %get3A_63 = arith.index_cast %add3A_62 : i32 to index
        %get3A_64 = tpu.vector_load %arg8[%get3A_63] {strides = array<i32>} : memref<512xi32, #tpu.memory_space<vmem>>, vector<16xi32>,
        %and3A_65 = arith.constant 1 : i32
        %and3A_66 = vector.broadcast %and3A_65 : i32 to vector<16xi32>
        %and3A_67 = arith.andi %get3A_64, %and3A_66 : vector<16xi32>
        %mul3A_68 = arith.constant 64 : i32
        %mul3A_69 = vector.broadcast %mul3A_68 : i32 to vector<16xi32>
        %mul3A_70 = arith.muli %and3A_67, %mul3A_69 : vector<16xi32>
        %mul3A_71 = arith.constant 16 : i32
        %mul3A_72 = arith.muli %scan3A_46, %mul3A_71 : i32
        %add3A_73 = arith.constant 0 : i32
        %add3A_74 = arith.addi %mul3A_72, %add3A_73 : i32
        %slice3A = vector.extract_strided_slice %mul3A_57 {offsets = [0], sizes = [1], strides = [1]} : vector<16xi32> to vector<1xi32>
        %squeeze3A = vector.extract %slice3A[0] : i32 from vector<1xi32>
        %slice3A_75 = vector.extract_strided_slice %mul3A_70 {offsets = [0], sizes = [1], strides = [1]} : vector<16xi32> to vector<1xi32>
        %squeeze3A_76 = vector.extract %slice3A_75[0] : i32 from vector<1xi32>
        %get3A_77 = arith.index_cast %add3A_74 : i32 to index
        %get3A_78 = arith.index_cast %squeeze3A : i32 to index
        %get3A_79 = tpu.vector_load %arg11[%get3A_77, %get3A_78] {strides = array<i32>} : memref<64x128xf32, #tpu.memory_space<vmem>>, vector<16xf32>,
        %add3A_80 = arith.constant 16 : i32
        %add3A_81 = arith.addi %squeeze3A, %add3A_80 : i32
        %get3A_82 = arith.index_cast %add3A_74 : i32 to index
        %get3A_83 = arith.index_cast %add3A_81 : i32 to index
        %get3A_84 = tpu.vector_load %arg11[%get3A_82, %get3A_83] {strides = array<i32>} : memref<64x128xf32, #tpu.memory_space<vmem>>, vector<16xf32>,
        %add3A_85 = arith.constant 32 : i32
        %add3A_86 = arith.addi %squeeze3A, %add3A_85 : i32
        %get3A_87 = arith.index_cast %add3A_74 : i32 to index
        %get3A_88 = arith.index_cast %add3A_86 : i32 to index
        %get3A_89 = tpu.vector_load %arg11[%get3A_87, %get3A_88] {strides = array<i32>} : memref<64x128xf32, #tpu.memory_space<vmem>>, vector<16xf32>,
        %add3A_90 = arith.constant 48 : i32
        %add3A_91 = arith.addi %squeeze3A, %add3A_90 : i32
        %get3A_92 = arith.index_cast %add3A_74 : i32 to index
        %get3A_93 = arith.index_cast %add3A_91 : i32 to index
        %get3A_94 = tpu.vector_load %arg11[%get3A_92, %get3A_93] {strides = array<i32>} : memref<64x128xf32, #tpu.memory_space<vmem>>, vector<16xf32>,
        %get3A_95 = arith.index_cast %add3A_74 : i32 to index
        %get3A_96 = arith.index_cast %squeeze3A_76 : i32 to index
        %get3A_97 = tpu.vector_load %arg12[%get3A_95, %get3A_96] {strides = array<i32>} : memref<64x128xf32, #tpu.memory_space<vmem>>, vector<16xf32>,
        %add3A_98 = arith.constant 16 : i32
        %add3A_99 = arith.addi %squeeze3A_76, %add3A_98 : i32
        %get3A_100 = arith.index_cast %add3A_74 : i32 to index
        %get3A_101 = arith.index_cast %add3A_99 : i32 to index
        %get3A_102 = tpu.vector_load %arg12[%get3A_100, %get3A_101] {strides = array<i32>} : memref<64x128xf32, #tpu.memory_space<vmem>>, vector<16xf32>,
        %add3A_103 = arith.constant 32 : i32
        %add3A_104 = arith.addi %squeeze3A_76, %add3A_103 : i32
        %get3A_105 = arith.index_cast %add3A_74 : i32 to index
        %get3A_106 = arith.index_cast %add3A_104 : i32 to index
        %get3A_107 = tpu.vector_load %arg12[%get3A_105, %get3A_106] {strides = array<i32>} : memref<64x128xf32, #tpu.memory_space<vmem>>, vector<16xf32>,
        %add3A_108 = arith.constant 48 : i32
        %add3A_109 = arith.addi %squeeze3A_76, %add3A_108 : i32
        %get3A_110 = arith.index_cast %add3A_74 : i32 to index
        %get3A_111 = arith.index_cast %add3A_109 : i32 to index
        %get3A_112 = tpu.vector_load %arg12[%get3A_110, %get3A_111] {strides = array<i32>} : memref<64x128xf32, #tpu.memory_space<vmem>>, vector<16xf32>,
        %mul3A_113 = arith.mulf %get3A_79, %get3A_79 : vector<16xf32>
        %mul3A_114 = arith.mulf %get3A_84, %get3A_84 : vector<16xf32>
        %add3A_115 = arith.addf %mul3A_113, %mul3A_114 : vector<16xf32>
        %mul3A_116 = arith.mulf %get3A_89, %get3A_89 : vector<16xf32>
        %mul3A_117 = arith.mulf %get3A_94, %get3A_94 : vector<16xf32>
        %add3A_118 = arith.addf %mul3A_116, %mul3A_117 : vector<16xf32>
        %add3A_119 = arith.addf %add3A_115, %add3A_118 : vector<16xf32>
        %mul3A_120 = arith.mulf %get3A_97, %get3A_97 : vector<16xf32>
        %mul3A_121 = arith.mulf %get3A_102, %get3A_102 : vector<16xf32>
        %add3A_122 = arith.addf %mul3A_120, %mul3A_121 : vector<16xf32>
        %mul3A_123 = arith.mulf %get3A_107, %get3A_107 : vector<16xf32>
        %mul3A_124 = arith.mulf %get3A_112, %get3A_112 : vector<16xf32>
        %add3A_125 = arith.addf %mul3A_123, %mul3A_124 : vector<16xf32>
        %add3A_126 = arith.addf %add3A_122, %add3A_125 : vector<16xf32>
        %mul3A_127 = arith.mulf %get3A_79, %get3A_97 : vector<16xf32>
        %mul3A_128 = arith.mulf %get3A_84, %get3A_102 : vector<16xf32>
        %add3A_129 = arith.addf %mul3A_127, %mul3A_128 : vector<16xf32>
        %mul3A_130 = arith.mulf %get3A_89, %get3A_107 : vector<16xf32>
        %mul3A_131 = arith.mulf %get3A_94, %get3A_112 : vector<16xf32>
        %add3A_132 = arith.addf %mul3A_130, %mul3A_131 : vector<16xf32>
        %add3A_133 = arith.addf %add3A_129, %add3A_132 : vector<16xf32>
        %broadcast_in_dim3A = arith.constant 0 : i32
        %broadcast_in_dim3A_134 = vector.broadcast %broadcast_in_dim3A : i32 to vector<16xi32>
        tpu.vector_store_idx %arg14[%iota3A, %broadcast_in_dim3A_134], %add3A_119 : memref<16x17xf32, #tpu.memory_space<vmem>>[vector<16xi32>, vector<16xi32>], vector<16xf32>,
        tpu.vector_store_idx %arg15[%iota3A, %broadcast_in_dim3A_134], %add3A_126 : memref<16x17xf32, #tpu.memory_space<vmem>>[vector<16xi32>, vector<16xi32>], vector<16xf32>,
        tpu.vector_store_idx %arg16[%iota3A, %broadcast_in_dim3A_134], %add3A_133 : memref<16x17xf32, #tpu.memory_space<vmem>>[vector<16xi32>, vector<16xi32>], vector<16xf32>,
        %mul3A_135 = arith.constant 16 : i32
        %mul3A_136 = arith.muli %scan3A_46, %mul3A_135 : i32
        %add3A_137 = arith.constant 1 : i32
        %add3A_138 = arith.addi %mul3A_136, %add3A_137 : i32
        %slice3A_139 = vector.extract_strided_slice %mul3A_57 {offsets = [1], sizes = [1], strides = [1]} : vector<16xi32> to vector<1xi32>
        %squeeze3A_140 = vector.extract %slice3A_139[0] : i32 from vector<1xi32>
        %slice3A_141 = vector.extract_strided_slice %mul3A_70 {offsets = [1], sizes = [1], strides = [1]} : vector<16xi32> to vector<1xi32>
        %squeeze3A_142 = vector.extract %slice3A_141[0] : i32 from vector<1xi32>
        %get3A_143 = arith.index_cast %add3A_138 : i32 to index
        %get3A_144 = arith.index_cast %squeeze3A_140 : i32 to index
        %get3A_145 = tpu.vector_load %arg11[%get3A_143, %get3A_144] {strides = array<i32>} : memref<64x128xf32, #tpu.memory_space<vmem>>, vector<16xf32>,
        %add3A_146 = arith.constant 16 : i32
        %add3A_147 = arith.addi %squeeze3A_140, %add3A_146 : i32
        %get3A_148 = arith.index_cast %add3A_138 : i32 to index
        %get3A_149 = arith.index_cast %add3A_147 : i32 to index
        %get3A_150 = tpu.vector_load %arg11[%get3A_148, %get3A_149] {strides = array<i32>} : memref<64x128xf32, #tpu.memory_space<vmem>>, vector<16xf32>,
        %add3A_151 = arith.constant 32 : i32
        %add3A_152 = arith.addi %squeeze3A_140, %add3A_151 : i32
        %get3A_153 = arith.index_cast %add3A_138 : i32 to index
        %get3A_154 = arith.index_cast %add3A_152 : i32 to index
        %get3A_155 = tpu.vector_load %arg11[%get3A_153, %get3A_154] {strides = array<i32>} : memref<64x128xf32, #tpu.memory_space<vmem>>, vector<16xf32>,
        %add3A_156 = arith.constant 48 : i32
        %add3A_157 = arith.addi %squeeze3A_140, %add3A_156 : i32
        %get3A_158 = arith.index_cast %add3A_138 : i32 to index
        %get3A_159 = arith.index_cast %add3A_157 : i32 to index
        %get3A_160 = tpu.vector_load %arg11[%get3A_158, %get3A_159] {strides = array<i32>} : memref<64x128xf32, #tpu.memory_space<vmem>>, vector<16xf32>,
        %get3A_161 = arith.index_cast %add3A_138 : i32 to index
        %get3A_162 = arith.index_cast %squeeze3A_142 : i32 to index
        %get3A_163 = tpu.vector_load %arg12[%get3A_161, %get3A_162] {strides = array<i32>} : memref<64x128xf32, #tpu.memory_space<vmem>>, vector<16xf32>,
        %add3A_164 = arith.constant 16 : i32
        %add3A_165 = arith.addi %squeeze3A_142, %add3A_164 : i32
        %get3A_166 = arith.index_cast %add3A_138 : i32 to index
        %get3A_167 = arith.index_cast %add3A_165 : i32 to index
        %get3A_168 = tpu.vector_load %arg12[%get3A_166, %get3A_167] {strides = array<i32>} : memref<64x128xf32, #tpu.memory_space<vmem>>, vector<16xf32>,
        %add3A_169 = arith.constant 32 : i32
        %add3A_170 = arith.addi %squeeze3A_142, %add3A_169 : i32
        %get3A_171 = arith.index_cast %add3A_138 : i32 to index
        %get3A_172 = arith.index_cast %add3A_170 : i32 to index
        %get3A_173 = tpu.vector_load %arg12[%get3A_171, %get3A_172] {strides = array<i32>} : memref<64x128xf32, #tpu.memory_space<vmem>>, vector<16xf32>,
        %add3A_174 = arith.constant 48 : i32
        %add3A_175 = arith.addi %squeeze3A_142, %add3A_174 : i32
        %get3A_176 = arith.index_cast %add3A_138 : i32 to index
        %get3A_177 = arith.index_cast %add3A_175 : i32 to index
        %get3A_178 = tpu.vector_load %arg12[%get3A_176, %get3A_177] {strides = array<i32>} : memref<64x128xf32, #tpu.memory_space<vmem>>, vector<16xf32>,
        %mul3A_179 = arith.mulf %get3A_145, %get3A_145 : vector<16xf32>
        %mul3A_180 = arith.mulf %get3A_150, %get3A_150 : vector<16xf32>
        %add3A_181 = arith.addf %mul3A_179, %mul3A_180 : vector<16xf32>
        %mul3A_182 = arith.mulf %get3A_155, %get3A_155 : vector<16xf32>
        %mul3A_183 = arith.mulf %get3A_160, %get3A_160 : vector<16xf32>
        %add3A_184 = arith.addf %mul3A_182, %mul3A_183 : vector<16xf32>
        %add3A_185 = arith.addf %add3A_181, %add3A_184 : vector<16xf32>
        %mul3A_186 = arith.mulf %get3A_163, %get3A_163 : vector<16xf32>
        %mul3A_187 = arith.mulf %get3A_168, %get3A_168 : vector<16xf32>
        %add3A_188 = arith.addf %mul3A_186, %mul3A_187 : vector<16xf32>
        %mul3A_189 = arith.mulf %get3A_173, %get3A_173 : vector<16xf32>
        %mul3A_190 = arith.mulf %get3A_178, %get3A_178 : vector<16xf32>
        %add3A_191 = arith.addf %mul3A_189, %mul3A_190 : vector<16xf32>
        %add3A_192 = arith.addf %add3A_188, %add3A_191 : vector<16xf32>
        %mul3A_193 = arith.mulf %get3A_145, %get3A_163 : vector<16xf32>
        %mul3A_194 = arith.mulf %get3A_150, %get3A_168 : vector<16xf32>
        %add3A_195 = arith.addf %mul3A_193, %mul3A_194 : vector<16xf32>
        %mul3A_196 = arith.mulf %get3A_155, %get3A_173 : vector<16xf32>
        %mul3A_197 = arith.mulf %get3A_160, %get3A_178 : vector<16xf32>
        %add3A_198 = arith.addf %mul3A_196, %mul3A_197 : vector<16xf32>
        %add3A_199 = arith.addf %add3A_195, %add3A_198 : vector<16xf32>
        %broadcast_in_dim3A_200 = arith.constant 1 : i32
        %broadcast_in_dim3A_201 = vector.broadcast %broadcast_in_dim3A_200 : i32 to vector<16xi32>
        tpu.vector_store_idx %arg14[%iota3A, %broadcast_in_dim3A_201], %add3A_185 : memref<16x17xf32, #tpu.memory_space<vmem>>[vector<16xi32>, vector<16xi32>], vector<16xf32>,
        tpu.vector_store_idx %arg15[%iota3A, %broadcast_in_dim3A_201], %add3A_192 : memref<16x17xf32, #tpu.memory_space<vmem>>[vector<16xi32>, vector<16xi32>], vector<16xf32>,
        tpu.vector_store_idx %arg16[%iota3A, %broadcast_in_dim3A_201], %add3A_199 : memref<16x17xf32, #tpu.memory_space<vmem>>[vector<16xi32>, vector<16xi32>], vector<16xf32>,
        %mul3A_202 = arith.constant 16 : i32
        %mul3A_203 = arith.muli %scan3A_46, %mul3A_202 : i32
        %add3A_204 = arith.constant 2 : i32
        %add3A_205 = arith.addi %mul3A_203, %add3A_204 : i32
        %slice3A_206 = vector.extract_strided_slice %mul3A_57 {offsets = [2], sizes = [1], strides = [1]} : vector<16xi32> to vector<1xi32>
        %squeeze3A_207 = vector.extract %slice3A_206[0] : i32 from vector<1xi32>
        %slice3A_208 = vector.extract_strided_slice %mul3A_70 {offsets = [2], sizes = [1], strides = [1]} : vector<16xi32> to vector<1xi32>
        %squeeze3A_209 = vector.extract %slice3A_208[0] : i32 from vector<1xi32>
        %get3A_210 = arith.index_cast %add3A_205 : i32 to index
        %get3A_211 = arith.index_cast %squeeze3A_207 : i32 to index
        %get3A_212 = tpu.vector_load %arg11[%get3A_210, %get3A_211] {strides = array<i32>} : memref<64x128xf32, #tpu.memory_space<vmem>>, vector<16xf32>,
        %add3A_213 = arith.constant 16 : i32
        %add3A_214 = arith.addi %squeeze3A_207, %add3A_213 : i32
        %get3A_215 = arith.index_cast %add3A_205 : i32 to index
        %get3A_216 = arith.index_cast %add3A_214 : i32 to index
        %get3A_217 = tpu.vector_load %arg11[%get3A_215, %get3A_216] {strides = array<i32>} : memref<64x128xf32, #tpu.memory_space<vmem>>, vector<16xf32>,
        %add3A_218 = arith.constant 32 : i32
        %add3A_219 = arith.addi %squeeze3A_207, %add3A_218 : i32
        %get3A_220 = arith.index_cast %add3A_205 : i32 to index
        %get3A_221 = arith.index_cast %add3A_219 : i32 to index
        %get3A_222 = tpu.vector_load %arg11[%get3A_220, %get3A_221] {strides = array<i32>} : memref<64x128xf32, #tpu.memory_space<vmem>>, vector<16xf32>,
        %add3A_223 = arith.constant 48 : i32
        %add3A_224 = arith.addi %squeeze3A_207, %add3A_223 : i32
        %get3A_225 = arith.index_cast %add3A_205 : i32 to index
        %get3A_226 = arith.index_cast %add3A_224 : i32 to index
        %get3A_227 = tpu.vector_load %arg11[%get3A_225, %get3A_226] {strides = array<i32>} : memref<64x128xf32, #tpu.memory_space<vmem>>, vector<16xf32>,
        %get3A_228 = arith.index_cast %add3A_205 : i32 to index
        %get3A_229 = arith.index_cast %squeeze3A_209 : i32 to index
        %get3A_230 = tpu.vector_load %arg12[%get3A_228, %get3A_229] {strides = array<i32>} : memref<64x128xf32, #tpu.memory_space<vmem>>, vector<16xf32>,
        %add3A_231 = arith.constant 16 : i32
        %add3A_232 = arith.addi %squeeze3A_209, %add3A_231 : i32
        %get3A_233 = arith.index_cast %add3A_205 : i32 to index
        %get3A_234 = arith.index_cast %add3A_232 : i32 to index
        %get3A_235 = tpu.vector_load %arg12[%get3A_233, %get3A_234] {strides = array<i32>} : memref<64x128xf32, #tpu.memory_space<vmem>>, vector<16xf32>,
        %add3A_236 = arith.constant 32 : i32
        %add3A_237 = arith.addi %squeeze3A_209, %add3A_236 : i32
        %get3A_238 = arith.index_cast %add3A_205 : i32 to index
        %get3A_239 = arith.index_cast %add3A_237 : i32 to index
        %get3A_240 = tpu.vector_load %arg12[%get3A_238, %get3A_239] {strides = array<i32>} : memref<64x128xf32, #tpu.memory_space<vmem>>, vector<16xf32>,
        %add3A_241 = arith.constant 48 : i32
        %add3A_242 = arith.addi %squeeze3A_209, %add3A_241 : i32
        %get3A_243 = arith.index_cast %add3A_205 : i32 to index
        %get3A_244 = arith.index_cast %add3A_242 : i32 to index
        %get3A_245 = tpu.vector_load %arg12[%get3A_243, %get3A_244] {strides = array<i32>} : memref<64x128xf32, #tpu.memory_space<vmem>>, vector<16xf32>,
        %mul3A_246 = arith.mulf %get3A_212, %get3A_212 : vector<16xf32>
        %mul3A_247 = arith.mulf %get3A_217, %get3A_217 : vector<16xf32>
        %add3A_248 = arith.addf %mul3A_246, %mul3A_247 : vector<16xf32>
        %mul3A_249 = arith.mulf %get3A_222, %get3A_222 : vector<16xf32>
        %mul3A_250 = arith.mulf %get3A_227, %get3A_227 : vector<16xf32>
        %add3A_251 = arith.addf %mul3A_249, %mul3A_250 : vector<16xf32>
        %add3A_252 = arith.addf %add3A_248, %add3A_251 : vector<16xf32>
        %mul3A_253 = arith.mulf %get3A_230, %get3A_230 : vector<16xf32>
        %mul3A_254 = arith.mulf %get3A_235, %get3A_235 : vector<16xf32>
        %add3A_255 = arith.addf %mul3A_253, %mul3A_254 : vector<16xf32>
        %mul3A_256 = arith.mulf %get3A_240, %get3A_240 : vector<16xf32>
        %mul3A_257 = arith.mulf %get3A_245, %get3A_245 : vector<16xf32>
        %add3A_258 = arith.addf %mul3A_256, %mul3A_257 : vector<16xf32>
        %add3A_259 = arith.addf %add3A_255, %add3A_258 : vector<16xf32>
        %mul3A_260 = arith.mulf %get3A_212, %get3A_230 : vector<16xf32>
        %mul3A_261 = arith.mulf %get3A_217, %get3A_235 : vector<16xf32>
        %add3A_262 = arith.addf %mul3A_260, %mul3A_261 : vector<16xf32>
        %mul3A_263 = arith.mulf %get3A_222, %get3A_240 : vector<16xf32>
        %mul3A_264 = arith.mulf %get3A_227, %get3A_245 : vector<16xf32>
        %add3A_265 = arith.addf %mul3A_263, %mul3A_264 : vector<16xf32>
        %add3A_266 = arith.addf %add3A_262, %add3A_265 : vector<16xf32>
        %broadcast_in_dim3A_267 = arith.constant 2 : i32
        %broadcast_in_dim3A_268 = vector.broadcast %broadcast_in_dim3A_267 : i32 to vector<16xi32>
        tpu.vector_store_idx %arg14[%iota3A, %broadcast_in_dim3A_268], %add3A_252 : memref<16x17xf32, #tpu.memory_space<vmem>>[vector<16xi32>, vector<16xi32>], vector<16xf32>,
        tpu.vector_store_idx %arg15[%iota3A, %broadcast_in_dim3A_268], %add3A_259 : memref<16x17xf32, #tpu.memory_space<vmem>>[vector<16xi32>, vector<16xi32>], vector<16xf32>,
        tpu.vector_store_idx %arg16[%iota3A, %broadcast_in_dim3A_268], %add3A_266 : memref<16x17xf32, #tpu.memory_space<vmem>>[vector<16xi32>, vector<16xi32>], vector<16xf32>,
        %mul3A_269 = arith.constant 16 : i32
        %mul3A_270 = arith.muli %scan3A_46, %mul3A_269 : i32
        %add3A_271 = arith.constant 3 : i32
        %add3A_272 = arith.addi %mul3A_270, %add3A_271 : i32
        %slice3A_273 = vector.extract_strided_slice %mul3A_57 {offsets = [3], sizes = [1], strides = [1]} : vector<16xi32> to vector<1xi32>
        %squeeze3A_274 = vector.extract %slice3A_273[0] : i32 from vector<1xi32>
        %slice3A_275 = vector.extract_strided_slice %mul3A_70 {offsets = [3], sizes = [1], strides = [1]} : vector<16xi32> to vector<1xi32>
        %squeeze3A_276 = vector.extract %slice3A_275[0] : i32 from vector<1xi32>
        %get3A_277 = arith.index_cast %add3A_272 : i32 to index
        %get3A_278 = arith.index_cast %squeeze3A_274 : i32 to index
        %get3A_279 = tpu.vector_load %arg11[%get3A_277, %get3A_278] {strides = array<i32>} : memref<64x128xf32, #tpu.memory_space<vmem>>, vector<16xf32>,
        %add3A_280 = arith.constant 16 : i32
        %add3A_281 = arith.addi %squeeze3A_274, %add3A_280 : i32
        %get3A_282 = arith.index_cast %add3A_272 : i32 to index
        %get3A_283 = arith.index_cast %add3A_281 : i32 to index
        %get3A_284 = tpu.vector_load %arg11[%get3A_282, %get3A_283] {strides = array<i32>} : memref<64x128xf32, #tpu.memory_space<vmem>>, vector<16xf32>,
        %add3A_285 = arith.constant 32 : i32
        %add3A_286 = arith.addi %squeeze3A_274, %add3A_285 : i32
        %get3A_287 = arith.index_cast %add3A_272 : i32 to index
        %get3A_288 = arith.index_cast %add3A_286 : i32 to index
        %get3A_289 = tpu.vector_load %arg11[%get3A_287, %get3A_288] {strides = array<i32>} : memref<64x128xf32, #tpu.memory_space<vmem>>, vector<16xf32>,
        %add3A_290 = arith.constant 48 : i32
        %add3A_291 = arith.addi %squeeze3A_274, %add3A_290 : i32
        %get3A_292 = arith.index_cast %add3A_272 : i32 to index
        %get3A_293 = arith.index_cast %add3A_291 : i32 to index
        %get3A_294 = tpu.vector_load %arg11[%get3A_292, %get3A_293] {strides = array<i32>} : memref<64x128xf32, #tpu.memory_space<vmem>>, vector<16xf32>,
        %get3A_295 = arith.index_cast %add3A_272 : i32 to index
        %get3A_296 = arith.index_cast %squeeze3A_276 : i32 to index
        %get3A_297 = tpu.vector_load %arg12[%get3A_295, %get3A_296] {strides = array<i32>} : memref<64x128xf32, #tpu.memory_space<vmem>>, vector<16xf32>,
        %add3A_298 = arith.constant 16 : i32
        %add3A_299 = arith.addi %squeeze3A_276, %add3A_298 : i32
        %get3A_300 = arith.index_cast %add3A_272 : i32 to index
        %get3A_301 = arith.index_cast %add3A_299 : i32 to index
        %get3A_302 = tpu.vector_load %arg12[%get3A_300, %get3A_301] {strides = array<i32>} : memref<64x128xf32, #tpu.memory_space<vmem>>, vector<16xf32>,
        %add3A_303 = arith.constant 32 : i32
        %add3A_304 = arith.addi %squeeze3A_276, %add3A_303 : i32
        %get3A_305 = arith.index_cast %add3A_272 : i32 to index
        %get3A_306 = arith.index_cast %add3A_304 : i32 to index
        %get3A_307 = tpu.vector_load %arg12[%get3A_305, %get3A_306] {strides = array<i32>} : memref<64x128xf32, #tpu.memory_space<vmem>>, vector<16xf32>,
        %add3A_308 = arith.constant 48 : i32
        %add3A_309 = arith.addi %squeeze3A_276, %add3A_308 : i32
        %get3A_310 = arith.index_cast %add3A_272 : i32 to index
        %get3A_311 = arith.index_cast %add3A_309 : i32 to index
        %get3A_312 = tpu.vector_load %arg12[%get3A_310, %get3A_311] {strides = array<i32>} : memref<64x128xf32, #tpu.memory_space<vmem>>, vector<16xf32>,
        %mul3A_313 = arith.mulf %get3A_279, %get3A_279 : vector<16xf32>
        %mul3A_314 = arith.mulf %get3A_284, %get3A_284 : vector<16xf32>
        %add3A_315 = arith.addf %mul3A_313, %mul3A_314 : vector<16xf32>
        %mul3A_316 = arith.mulf %get3A_289, %get3A_289 : vector<16xf32>
        %mul3A_317 = arith.mulf %get3A_294, %get3A_294 : vector<16xf32>
        %add3A_318 = arith.addf %mul3A_316, %mul3A_317 : vector<16xf32>
        %add3A_319 = arith.addf %add3A_315, %add3A_318 : vector<16xf32>
        %mul3A_320 = arith.mulf %get3A_297, %get3A_297 : vector<16xf32>
        %mul3A_321 = arith.mulf %get3A_302, %get3A_302 : vector<16xf32>
        %add3A_322 = arith.addf %mul3A_320, %mul3A_321 : vector<16xf32>
        %mul3A_323 = arith.mulf %get3A_307, %get3A_307 : vector<16xf32>
        %mul3A_324 = arith.mulf %get3A_312, %get3A_312 : vector<16xf32>
        %add3A_325 = arith.addf %mul3A_323, %mul3A_324 : vector<16xf32>
        %add3A_326 = arith.addf %add3A_322, %add3A_325 : vector<16xf32>
        %mul3A_327 = arith.mulf %get3A_279, %get3A_297 : vector<16xf32>
        %mul3A_328 = arith.mulf %get3A_284, %get3A_302 : vector<16xf32>
        %add3A_329 = arith.addf %mul3A_327, %mul3A_328 : vector<16xf32>
        %mul3A_330 = arith.mulf %get3A_289, %get3A_307 : vector<16xf32>
        %mul3A_331 = arith.mulf %get3A_294, %get3A_312 : vector<16xf32>
        %add3A_332 = arith.addf %mul3A_330, %mul3A_331 : vector<16xf32>
        %add3A_333 = arith.addf %add3A_329, %add3A_332 : vector<16xf32>
        %broadcast_in_dim3A_334 = arith.constant 3 : i32
        %broadcast_in_dim3A_335 = vector.broadcast %broadcast_in_dim3A_334 : i32 to vector<16xi32>
        tpu.vector_store_idx %arg14[%iota3A, %broadcast_in_dim3A_335], %add3A_319 : memref<16x17xf32, #tpu.memory_space<vmem>>[vector<16xi32>, vector<16xi32>], vector<16xf32>,
        tpu.vector_store_idx %arg15[%iota3A, %broadcast_in_dim3A_335], %add3A_326 : memref<16x17xf32, #tpu.memory_space<vmem>>[vector<16xi32>, vector<16xi32>], vector<16xf32>,
        tpu.vector_store_idx %arg16[%iota3A, %broadcast_in_dim3A_335], %add3A_333 : memref<16x17xf32, #tpu.memory_space<vmem>>[vector<16xi32>, vector<16xi32>], vector<16xf32>,
        %mul3A_336 = arith.constant 16 : i32
        %mul3A_337 = arith.muli %scan3A_46, %mul3A_336 : i32
        %add3A_338 = arith.constant 4 : i32
        %add3A_339 = arith.addi %mul3A_337, %add3A_338 : i32
        %slice3A_340 = vector.extract_strided_slice %mul3A_57 {offsets = [4], sizes = [1], strides = [1]} : vector<16xi32> to vector<1xi32>
        %squeeze3A_341 = vector.extract %slice3A_340[0] : i32 from vector<1xi32>
        %slice3A_342 = vector.extract_strided_slice %mul3A_70 {offsets = [4], sizes = [1], strides = [1]} : vector<16xi32> to vector<1xi32>
        %squeeze3A_343 = vector.extract %slice3A_342[0] : i32 from vector<1xi32>
        %get3A_344 = arith.index_cast %add3A_339 : i32 to index
        %get3A_345 = arith.index_cast %squeeze3A_341 : i32 to index
        %get3A_346 = tpu.vector_load %arg11[%get3A_344, %get3A_345] {strides = array<i32>} : memref<64x128xf32, #tpu.memory_space<vmem>>, vector<16xf32>,
        %add3A_347 = arith.constant 16 : i32
        %add3A_348 = arith.addi %squeeze3A_341, %add3A_347 : i32
        %get3A_349 = arith.index_cast %add3A_339 : i32 to index
        %get3A_350 = arith.index_cast %add3A_348 : i32 to index
        %get3A_351 = tpu.vector_load %arg11[%get3A_349, %get3A_350] {strides = array<i32>} : memref<64x128xf32, #tpu.memory_space<vmem>>, vector<16xf32>,
        %add3A_352 = arith.constant 32 : i32
        %add3A_353 = arith.addi %squeeze3A_341, %add3A_352 : i32
        %get3A_354 = arith.index_cast %add3A_339 : i32 to index
        %get3A_355 = arith.index_cast %add3A_353 : i32 to index
        %get3A_356 = tpu.vector_load %arg11[%get3A_354, %get3A_355] {strides = array<i32>} : memref<64x128xf32, #tpu.memory_space<vmem>>, vector<16xf32>,
        %add3A_357 = arith.constant 48 : i32
        %add3A_358 = arith.addi %squeeze3A_341, %add3A_357 : i32
        %get3A_359 = arith.index_cast %add3A_339 : i32 to index
        %get3A_360 = arith.index_cast %add3A_358 : i32 to index
        %get3A_361 = tpu.vector_load %arg11[%get3A_359, %get3A_360] {strides = array<i32>} : memref<64x128xf32, #tpu.memory_space<vmem>>, vector<16xf32>,
        %get3A_362 = arith.index_cast %add3A_339 : i32 to index
        %get3A_363 = arith.index_cast %squeeze3A_343 : i32 to index
        %get3A_364 = tpu.vector_load %arg12[%get3A_362, %get3A_363] {strides = array<i32>} : memref<64x128xf32, #tpu.memory_space<vmem>>, vector<16xf32>,
        %add3A_365 = arith.constant 16 : i32
        %add3A_366 = arith.addi %squeeze3A_343, %add3A_365 : i32
        %get3A_367 = arith.index_cast %add3A_339 : i32 to index
        %get3A_368 = arith.index_cast %add3A_366 : i32 to index
        %get3A_369 = tpu.vector_load %arg12[%get3A_367, %get3A_368] {strides = array<i32>} : memref<64x128xf32, #tpu.memory_space<vmem>>, vector<16xf32>,
        %add3A_370 = arith.constant 32 : i32
        %add3A_371 = arith.addi %squeeze3A_343, %add3A_370 : i32
        %get3A_372 = arith.index_cast %add3A_339 : i32 to index
        %get3A_373 = arith.index_cast %add3A_371 : i32 to index
        %get3A_374 = tpu.vector_load %arg12[%get3A_372, %get3A_373] {strides = array<i32>} : memref<64x128xf32, #tpu.memory_space<vmem>>, vector<16xf32>,
        %add3A_375 = arith.constant 48 : i32
        %add3A_376 = arith.addi %squeeze3A_343, %add3A_375 : i32
        %get3A_377 = arith.index_cast %add3A_339 : i32 to index
        %get3A_378 = arith.index_cast %add3A_376 : i32 to index
        %get3A_379 = tpu.vector_load %arg12[%get3A_377, %get3A_378] {strides = array<i32>} : memref<64x128xf32, #tpu.memory_space<vmem>>, vector<16xf32>,
        %mul3A_380 = arith.mulf %get3A_346, %get3A_346 : vector<16xf32>
        %mul3A_381 = arith.mulf %get3A_351, %get3A_351 : vector<16xf32>
        %add3A_382 = arith.addf %mul3A_380, %mul3A_381 : vector<16xf32>
        %mul3A_383 = arith.mulf %get3A_356, %get3A_356 : vector<16xf32>
        %mul3A_384 = arith.mulf %get3A_361, %get3A_361 : vector<16xf32>
        %add3A_385 = arith.addf %mul3A_383, %mul3A_384 : vector<16xf32>
        %add3A_386 = arith.addf %add3A_382, %add3A_385 : vector<16xf32>
        %mul3A_387 = arith.mulf %get3A_364, %get3A_364 : vector<16xf32>
        %mul3A_388 = arith.mulf %get3A_369, %get3A_369 : vector<16xf32>
        %add3A_389 = arith.addf %mul3A_387, %mul3A_388 : vector<16xf32>
        %mul3A_390 = arith.mulf %get3A_374, %get3A_374 : vector<16xf32>
        %mul3A_391 = arith.mulf %get3A_379, %get3A_379 : vector<16xf32>
        %add3A_392 = arith.addf %mul3A_390, %mul3A_391 : vector<16xf32>
        %add3A_393 = arith.addf %add3A_389, %add3A_392 : vector<16xf32>
        %mul3A_394 = arith.mulf %get3A_346, %get3A_364 : vector<16xf32>
        %mul3A_395 = arith.mulf %get3A_351, %get3A_369 : vector<16xf32>
        %add3A_396 = arith.addf %mul3A_394, %mul3A_395 : vector<16xf32>
        %mul3A_397 = arith.mulf %get3A_356, %get3A_374 : vector<16xf32>
        %mul3A_398 = arith.mulf %get3A_361, %get3A_379 : vector<16xf32>
        %add3A_399 = arith.addf %mul3A_397, %mul3A_398 : vector<16xf32>
        %add3A_400 = arith.addf %add3A_396, %add3A_399 : vector<16xf32>
        %broadcast_in_dim3A_401 = arith.constant 4 : i32
        %broadcast_in_dim3A_402 = vector.broadcast %broadcast_in_dim3A_401 : i32 to vector<16xi32>
        tpu.vector_store_idx %arg14[%iota3A, %broadcast_in_dim3A_402], %add3A_386 : memref<16x17xf32, #tpu.memory_space<vmem>>[vector<16xi32>, vector<16xi32>], vector<16xf32>,
        tpu.vector_store_idx %arg15[%iota3A, %broadcast_in_dim3A_402], %add3A_393 : memref<16x17xf32, #tpu.memory_space<vmem>>[vector<16xi32>, vector<16xi32>], vector<16xf32>,
        tpu.vector_store_idx %arg16[%iota3A, %broadcast_in_dim3A_402], %add3A_400 : memref<16x17xf32, #tpu.memory_space<vmem>>[vector<16xi32>, vector<16xi32>], vector<16xf32>,
        %mul3A_403 = arith.constant 16 : i32
        %mul3A_404 = arith.muli %scan3A_46, %mul3A_403 : i32
        %add3A_405 = arith.constant 5 : i32
        %add3A_406 = arith.addi %mul3A_404, %add3A_405 : i32
        %slice3A_407 = vector.extract_strided_slice %mul3A_57 {offsets = [5], sizes = [1], strides = [1]} : vector<16xi32> to vector<1xi32>
        %squeeze3A_408 = vector.extract %slice3A_407[0] : i32 from vector<1xi32>
        %slice3A_409 = vector.extract_strided_slice %mul3A_70 {offsets = [5], sizes = [1], strides = [1]} : vector<16xi32> to vector<1xi32>
        %squeeze3A_410 = vector.extract %slice3A_409[0] : i32 from vector<1xi32>
        %get3A_411 = arith.index_cast %add3A_406 : i32 to index
        %get3A_412 = arith.index_cast %squeeze3A_408 : i32 to index
        %get3A_413 = tpu.vector_load %arg11[%get3A_411, %get3A_412] {strides = array<i32>} : memref<64x128xf32, #tpu.memory_space<vmem>>, vector<16xf32>,
        %add3A_414 = arith.constant 16 : i32
        %add3A_415 = arith.addi %squeeze3A_408, %add3A_414 : i32
        %get3A_416 = arith.index_cast %add3A_406 : i32 to index
        %get3A_417 = arith.index_cast %add3A_415 : i32 to index
        %get3A_418 = tpu.vector_load %arg11[%get3A_416, %get3A_417] {strides = array<i32>} : memref<64x128xf32, #tpu.memory_space<vmem>>, vector<16xf32>,
        %add3A_419 = arith.constant 32 : i32
        %add3A_420 = arith.addi %squeeze3A_408, %add3A_419 : i32
        %get3A_421 = arith.index_cast %add3A_406 : i32 to index
        %get3A_422 = arith.index_cast %add3A_420 : i32 to index
        %get3A_423 = tpu.vector_load %arg11[%get3A_421, %get3A_422] {strides = array<i32>} : memref<64x128xf32, #tpu.memory_space<vmem>>, vector<16xf32>,
        %add3A_424 = arith.constant 48 : i32
        %add3A_425 = arith.addi %squeeze3A_408, %add3A_424 : i32
        %get3A_426 = arith.index_cast %add3A_406 : i32 to index
        %get3A_427 = arith.index_cast %add3A_425 : i32 to index
        %get3A_428 = tpu.vector_load %arg11[%get3A_426, %get3A_427] {strides = array<i32>} : memref<64x128xf32, #tpu.memory_space<vmem>>, vector<16xf32>,
        %get3A_429 = arith.index_cast %add3A_406 : i32 to index
        %get3A_430 = arith.index_cast %squeeze3A_410 : i32 to index
        %get3A_431 = tpu.vector_load %arg12[%get3A_429, %get3A_430] {strides = array<i32>} : memref<64x128xf32, #tpu.memory_space<vmem>>, vector<16xf32>,
        %add3A_432 = arith.constant 16 : i32
        %add3A_433 = arith.addi %squeeze3A_410, %add3A_432 : i32
        %get3A_434 = arith.index_cast %add3A_406 : i32 to index
        %get3A_435 = arith.index_cast %add3A_433 : i32 to index
        %get3A_436 = tpu.vector_load %arg12[%get3A_434, %get3A_435] {strides = array<i32>} : memref<64x128xf32, #tpu.memory_space<vmem>>, vector<16xf32>,
        %add3A_437 = arith.constant 32 : i32
        %add3A_438 = arith.addi %squeeze3A_410, %add3A_437 : i32
        %get3A_439 = arith.index_cast %add3A_406 : i32 to index
        %get3A_440 = arith.index_cast %add3A_438 : i32 to index
        %get3A_441 = tpu.vector_load %arg12[%get3A_439, %get3A_440] {strides = array<i32>} : memref<64x128xf32, #tpu.memory_space<vmem>>, vector<16xf32>,
        %add3A_442 = arith.constant 48 : i32
        %add3A_443 = arith.addi %squeeze3A_410, %add3A_442 : i32
        %get3A_444 = arith.index_cast %add3A_406 : i32 to index
        %get3A_445 = arith.index_cast %add3A_443 : i32 to index
        %get3A_446 = tpu.vector_load %arg12[%get3A_444, %get3A_445] {strides = array<i32>} : memref<64x128xf32, #tpu.memory_space<vmem>>, vector<16xf32>,
        %mul3A_447 = arith.mulf %get3A_413, %get3A_413 : vector<16xf32>
        %mul3A_448 = arith.mulf %get3A_418, %get3A_418 : vector<16xf32>
        %add3A_449 = arith.addf %mul3A_447, %mul3A_448 : vector<16xf32>
        %mul3A_450 = arith.mulf %get3A_423, %get3A_423 : vector<16xf32>
        %mul3A_451 = arith.mulf %get3A_428, %get3A_428 : vector<16xf32>
        %add3A_452 = arith.addf %mul3A_450, %mul3A_451 : vector<16xf32>
        %add3A_453 = arith.addf %add3A_449, %add3A_452 : vector<16xf32>
        %mul3A_454 = arith.mulf %get3A_431, %get3A_431 : vector<16xf32>
        %mul3A_455 = arith.mulf %get3A_436, %get3A_436 : vector<16xf32>
        %add3A_456 = arith.addf %mul3A_454, %mul3A_455 : vector<16xf32>
        %mul3A_457 = arith.mulf %get3A_441, %get3A_441 : vector<16xf32>
        %mul3A_458 = arith.mulf %get3A_446, %get3A_446 : vector<16xf32>
        %add3A_459 = arith.addf %mul3A_457, %mul3A_458 : vector<16xf32>
        %add3A_460 = arith.addf %add3A_456, %add3A_459 : vector<16xf32>
        %mul3A_461 = arith.mulf %get3A_413, %get3A_431 : vector<16xf32>
        %mul3A_462 = arith.mulf %get3A_418, %get3A_436 : vector<16xf32>
        %add3A_463 = arith.addf %mul3A_461, %mul3A_462 : vector<16xf32>
        %mul3A_464 = arith.mulf %get3A_423, %get3A_441 : vector<16xf32>
        %mul3A_465 = arith.mulf %get3A_428, %get3A_446 : vector<16xf32>
        %add3A_466 = arith.addf %mul3A_464, %mul3A_465 : vector<16xf32>
        %add3A_467 = arith.addf %add3A_463, %add3A_466 : vector<16xf32>
        %broadcast_in_dim3A_468 = arith.constant 5 : i32
        %broadcast_in_dim3A_469 = vector.broadcast %broadcast_in_dim3A_468 : i32 to vector<16xi32>
        tpu.vector_store_idx %arg14[%iota3A, %broadcast_in_dim3A_469], %add3A_453 : memref<16x17xf32, #tpu.memory_space<vmem>>[vector<16xi32>, vector<16xi32>], vector<16xf32>,
        tpu.vector_store_idx %arg15[%iota3A, %broadcast_in_dim3A_469], %add3A_460 : memref<16x17xf32, #tpu.memory_space<vmem>>[vector<16xi32>, vector<16xi32>], vector<16xf32>,
        tpu.vector_store_idx %arg16[%iota3A, %broadcast_in_dim3A_469], %add3A_467 : memref<16x17xf32, #tpu.memory_space<vmem>>[vector<16xi32>, vector<16xi32>], vector<16xf32>,
        %mul3A_470 = arith.constant 16 : i32
        %mul3A_471 = arith.muli %scan3A_46, %mul3A_470 : i32
        %add3A_472 = arith.constant 6 : i32
        %add3A_473 = arith.addi %mul3A_471, %add3A_472 : i32
        %slice3A_474 = vector.extract_strided_slice %mul3A_57 {offsets = [6], sizes = [1], strides = [1]} : vector<16xi32> to vector<1xi32>
        %squeeze3A_475 = vector.extract %slice3A_474[0] : i32 from vector<1xi32>
        %slice3A_476 = vector.extract_strided_slice %mul3A_70 {offsets = [6], sizes = [1], strides = [1]} : vector<16xi32> to vector<1xi32>
        %squeeze3A_477 = vector.extract %slice3A_476[0] : i32 from vector<1xi32>
        %get3A_478 = arith.index_cast %add3A_473 : i32 to index
        %get3A_479 = arith.index_cast %squeeze3A_475 : i32 to index
        %get3A_480 = tpu.vector_load %arg11[%get3A_478, %get3A_479] {strides = array<i32>} : memref<64x128xf32, #tpu.memory_space<vmem>>, vector<16xf32>,
        %add3A_481 = arith.constant 16 : i32
        %add3A_482 = arith.addi %squeeze3A_475, %add3A_481 : i32
        %get3A_483 = arith.index_cast %add3A_473 : i32 to index
        %get3A_484 = arith.index_cast %add3A_482 : i32 to index
        %get3A_485 = tpu.vector_load %arg11[%get3A_483, %get3A_484] {strides = array<i32>} : memref<64x128xf32, #tpu.memory_space<vmem>>, vector<16xf32>,
        %add3A_486 = arith.constant 32 : i32
        %add3A_487 = arith.addi %squeeze3A_475, %add3A_486 : i32
        %get3A_488 = arith.index_cast %add3A_473 : i32 to index
        %get3A_489 = arith.index_cast %add3A_487 : i32 to index
        %get3A_490 = tpu.vector_load %arg11[%get3A_488, %get3A_489] {strides = array<i32>} : memref<64x128xf32, #tpu.memory_space<vmem>>, vector<16xf32>,
        %add3A_491 = arith.constant 48 : i32
        %add3A_492 = arith.addi %squeeze3A_475, %add3A_491 : i32
        %get3A_493 = arith.index_cast %add3A_473 : i32 to index
        %get3A_494 = arith.index_cast %add3A_492 : i32 to index
        %get3A_495 = tpu.vector_load %arg11[%get3A_493, %get3A_494] {strides = array<i32>} : memref<64x128xf32, #tpu.memory_space<vmem>>, vector<16xf32>,
        %get3A_496 = arith.index_cast %add3A_473 : i32 to index
        %get3A_497 = arith.index_cast %squeeze3A_477 : i32 to index
        %get3A_498 = tpu.vector_load %arg12[%get3A_496, %get3A_497] {strides = array<i32>} : memref<64x128xf32, #tpu.memory_space<vmem>>, vector<16xf32>,
        %add3A_499 = arith.constant 16 : i32
        %add3A_500 = arith.addi %squeeze3A_477, %add3A_499 : i32
        %get3A_501 = arith.index_cast %add3A_473 : i32 to index
        %get3A_502 = arith.index_cast %add3A_500 : i32 to index
        %get3A_503 = tpu.vector_load %arg12[%get3A_501, %get3A_502] {strides = array<i32>} : memref<64x128xf32, #tpu.memory_space<vmem>>, vector<16xf32>,
        %add3A_504 = arith.constant 32 : i32
        %add3A_505 = arith.addi %squeeze3A_477, %add3A_504 : i32
        %get3A_506 = arith.index_cast %add3A_473 : i32 to index
        %get3A_507 = arith.index_cast %add3A_505 : i32 to index
        %get3A_508 = tpu.vector_load %arg12[%get3A_506, %get3A_507] {strides = array<i32>} : memref<64x128xf32, #tpu.memory_space<vmem>>, vector<16xf32>,
        %add3A_509 = arith.constant 48 : i32
        %add3A_510 = arith.addi %squeeze3A_477, %add3A_509 : i32
        %get3A_511 = arith.index_cast %add3A_473 : i32 to index
        %get3A_512 = arith.index_cast %add3A_510 : i32 to index
        %get3A_513 = tpu.vector_load %arg12[%get3A_511, %get3A_512] {strides = array<i32>} : memref<64x128xf32, #tpu.memory_space<vmem>>, vector<16xf32>,
        %mul3A_514 = arith.mulf %get3A_480, %get3A_480 : vector<16xf32>
        %mul3A_515 = arith.mulf %get3A_485, %get3A_485 : vector<16xf32>
        %add3A_516 = arith.addf %mul3A_514, %mul3A_515 : vector<16xf32>
        %mul3A_517 = arith.mulf %get3A_490, %get3A_490 : vector<16xf32>
        %mul3A_518 = arith.mulf %get3A_495, %get3A_495 : vector<16xf32>
        %add3A_519 = arith.addf %mul3A_517, %mul3A_518 : vector<16xf32>
        %add3A_520 = arith.addf %add3A_516, %add3A_519 : vector<16xf32>
        %mul3A_521 = arith.mulf %get3A_498, %get3A_498 : vector<16xf32>
        %mul3A_522 = arith.mulf %get3A_503, %get3A_503 : vector<16xf32>
        %add3A_523 = arith.addf %mul3A_521, %mul3A_522 : vector<16xf32>
        %mul3A_524 = arith.mulf %get3A_508, %get3A_508 : vector<16xf32>
        %mul3A_525 = arith.mulf %get3A_513, %get3A_513 : vector<16xf32>
        %add3A_526 = arith.addf %mul3A_524, %mul3A_525 : vector<16xf32>
        %add3A_527 = arith.addf %add3A_523, %add3A_526 : vector<16xf32>
        %mul3A_528 = arith.mulf %get3A_480, %get3A_498 : vector<16xf32>
        %mul3A_529 = arith.mulf %get3A_485, %get3A_503 : vector<16xf32>
        %add3A_530 = arith.addf %mul3A_528, %mul3A_529 : vector<16xf32>
        %mul3A_531 = arith.mulf %get3A_490, %get3A_508 : vector<16xf32>
        %mul3A_532 = arith.mulf %get3A_495, %get3A_513 : vector<16xf32>
        %add3A_533 = arith.addf %mul3A_531, %mul3A_532 : vector<16xf32>
        %add3A_534 = arith.addf %add3A_530, %add3A_533 : vector<16xf32>
        %broadcast_in_dim3A_535 = arith.constant 6 : i32
        %broadcast_in_dim3A_536 = vector.broadcast %broadcast_in_dim3A_535 : i32 to vector<16xi32>
        tpu.vector_store_idx %arg14[%iota3A, %broadcast_in_dim3A_536], %add3A_520 : memref<16x17xf32, #tpu.memory_space<vmem>>[vector<16xi32>, vector<16xi32>], vector<16xf32>,
        tpu.vector_store_idx %arg15[%iota3A, %broadcast_in_dim3A_536], %add3A_527 : memref<16x17xf32, #tpu.memory_space<vmem>>[vector<16xi32>, vector<16xi32>], vector<16xf32>,
        tpu.vector_store_idx %arg16[%iota3A, %broadcast_in_dim3A_536], %add3A_534 : memref<16x17xf32, #tpu.memory_space<vmem>>[vector<16xi32>, vector<16xi32>], vector<16xf32>,
        %mul3A_537 = arith.constant 16 : i32
        %mul3A_538 = arith.muli %scan3A_46, %mul3A_537 : i32
        %add3A_539 = arith.constant 7 : i32
        %add3A_540 = arith.addi %mul3A_538, %add3A_539 : i32
        %slice3A_541 = vector.extract_strided_slice %mul3A_57 {offsets = [7], sizes = [1], strides = [1]} : vector<16xi32> to vector<1xi32>
        %squeeze3A_542 = vector.extract %slice3A_541[0] : i32 from vector<1xi32>
        %slice3A_543 = vector.extract_strided_slice %mul3A_70 {offsets = [7], sizes = [1], strides = [1]} : vector<16xi32> to vector<1xi32>
        %squeeze3A_544 = vector.extract %slice3A_543[0] : i32 from vector<1xi32>
        %get3A_545 = arith.index_cast %add3A_540 : i32 to index
        %get3A_546 = arith.index_cast %squeeze3A_542 : i32 to index
        %get3A_547 = tpu.vector_load %arg11[%get3A_545, %get3A_546] {strides = array<i32>} : memref<64x128xf32, #tpu.memory_space<vmem>>, vector<16xf32>,
        %add3A_548 = arith.constant 16 : i32
        %add3A_549 = arith.addi %squeeze3A_542, %add3A_548 : i32
        %get3A_550 = arith.index_cast %add3A_540 : i32 to index
        %get3A_551 = arith.index_cast %add3A_549 : i32 to index
        %get3A_552 = tpu.vector_load %arg11[%get3A_550, %get3A_551] {strides = array<i32>} : memref<64x128xf32, #tpu.memory_space<vmem>>, vector<16xf32>,
        %add3A_553 = arith.constant 32 : i32
        %add3A_554 = arith.addi %squeeze3A_542, %add3A_553 : i32
        %get3A_555 = arith.index_cast %add3A_540 : i32 to index
        %get3A_556 = arith.index_cast %add3A_554 : i32 to index
        %get3A_557 = tpu.vector_load %arg11[%get3A_555, %get3A_556] {strides = array<i32>} : memref<64x128xf32, #tpu.memory_space<vmem>>, vector<16xf32>,
        %add3A_558 = arith.constant 48 : i32
        %add3A_559 = arith.addi %squeeze3A_542, %add3A_558 : i32
        %get3A_560 = arith.index_cast %add3A_540 : i32 to index
        %get3A_561 = arith.index_cast %add3A_559 : i32 to index
        %get3A_562 = tpu.vector_load %arg11[%get3A_560, %get3A_561] {strides = array<i32>} : memref<64x128xf32, #tpu.memory_space<vmem>>, vector<16xf32>,
        %get3A_563 = arith.index_cast %add3A_540 : i32 to index
        %get3A_564 = arith.index_cast %squeeze3A_544 : i32 to index
        %get3A_565 = tpu.vector_load %arg12[%get3A_563, %get3A_564] {strides = array<i32>} : memref<64x128xf32, #tpu.memory_space<vmem>>, vector<16xf32>,
        %add3A_566 = arith.constant 16 : i32
        %add3A_567 = arith.addi %squeeze3A_544, %add3A_566 : i32
        %get3A_568 = arith.index_cast %add3A_540 : i32 to index
        %get3A_569 = arith.index_cast %add3A_567 : i32 to index
        %get3A_570 = tpu.vector_load %arg12[%get3A_568, %get3A_569] {strides = array<i32>} : memref<64x128xf32, #tpu.memory_space<vmem>>, vector<16xf32>,
        %add3A_571 = arith.constant 32 : i32
        %add3A_572 = arith.addi %squeeze3A_544, %add3A_571 : i32
        %get3A_573 = arith.index_cast %add3A_540 : i32 to index
        %get3A_574 = arith.index_cast %add3A_572 : i32 to index
        %get3A_575 = tpu.vector_load %arg12[%get3A_573, %get3A_574] {strides = array<i32>} : memref<64x128xf32, #tpu.memory_space<vmem>>, vector<16xf32>,
        %add3A_576 = arith.constant 48 : i32
        %add3A_577 = arith.addi %squeeze3A_544, %add3A_576 : i32
        %get3A_578 = arith.index_cast %add3A_540 : i32 to index
        %get3A_579 = arith.index_cast %add3A_577 : i32 to index
        %get3A_580 = tpu.vector_load %arg12[%get3A_578, %get3A_579] {strides = array<i32>} : memref<64x128xf32, #tpu.memory_space<vmem>>, vector<16xf32>,
        %mul3A_581 = arith.mulf %get3A_547, %get3A_547 : vector<16xf32>
        %mul3A_582 = arith.mulf %get3A_552, %get3A_552 : vector<16xf32>
        %add3A_583 = arith.addf %mul3A_581, %mul3A_582 : vector<16xf32>
        %mul3A_584 = arith.mulf %get3A_557, %get3A_557 : vector<16xf32>
        %mul3A_585 = arith.mulf %get3A_562, %get3A_562 : vector<16xf32>
        %add3A_586 = arith.addf %mul3A_584, %mul3A_585 : vector<16xf32>
        %add3A_587 = arith.addf %add3A_583, %add3A_586 : vector<16xf32>
        %mul3A_588 = arith.mulf %get3A_565, %get3A_565 : vector<16xf32>
        %mul3A_589 = arith.mulf %get3A_570, %get3A_570 : vector<16xf32>
        %add3A_590 = arith.addf %mul3A_588, %mul3A_589 : vector<16xf32>
        %mul3A_591 = arith.mulf %get3A_575, %get3A_575 : vector<16xf32>
        %mul3A_592 = arith.mulf %get3A_580, %get3A_580 : vector<16xf32>
        %add3A_593 = arith.addf %mul3A_591, %mul3A_592 : vector<16xf32>
        %add3A_594 = arith.addf %add3A_590, %add3A_593 : vector<16xf32>
        %mul3A_595 = arith.mulf %get3A_547, %get3A_565 : vector<16xf32>
        %mul3A_596 = arith.mulf %get3A_552, %get3A_570 : vector<16xf32>
        %add3A_597 = arith.addf %mul3A_595, %mul3A_596 : vector<16xf32>
        %mul3A_598 = arith.mulf %get3A_557, %get3A_575 : vector<16xf32>
        %mul3A_599 = arith.mulf %get3A_562, %get3A_580 : vector<16xf32>
        %add3A_600 = arith.addf %mul3A_598, %mul3A_599 : vector<16xf32>
        %add3A_601 = arith.addf %add3A_597, %add3A_600 : vector<16xf32>
        %broadcast_in_dim3A_602 = arith.constant 7 : i32
        %broadcast_in_dim3A_603 = vector.broadcast %broadcast_in_dim3A_602 : i32 to vector<16xi32>
        tpu.vector_store_idx %arg14[%iota3A, %broadcast_in_dim3A_603], %add3A_587 : memref<16x17xf32, #tpu.memory_space<vmem>>[vector<16xi32>, vector<16xi32>], vector<16xf32>,
        tpu.vector_store_idx %arg15[%iota3A, %broadcast_in_dim3A_603], %add3A_594 : memref<16x17xf32, #tpu.memory_space<vmem>>[vector<16xi32>, vector<16xi32>], vector<16xf32>,
        tpu.vector_store_idx %arg16[%iota3A, %broadcast_in_dim3A_603], %add3A_601 : memref<16x17xf32, #tpu.memory_space<vmem>>[vector<16xi32>, vector<16xi32>], vector<16xf32>,
        %mul3A_604 = arith.constant 16 : i32
        %mul3A_605 = arith.muli %scan3A_46, %mul3A_604 : i32
        %add3A_606 = arith.constant 8 : i32
        %add3A_607 = arith.addi %mul3A_605, %add3A_606 : i32
        %slice3A_608 = vector.extract_strided_slice %mul3A_57 {offsets = [8], sizes = [1], strides = [1]} : vector<16xi32> to vector<1xi32>
        %squeeze3A_609 = vector.extract %slice3A_608[0] : i32 from vector<1xi32>
        %slice3A_610 = vector.extract_strided_slice %mul3A_70 {offsets = [8], sizes = [1], strides = [1]} : vector<16xi32> to vector<1xi32>
        %squeeze3A_611 = vector.extract %slice3A_610[0] : i32 from vector<1xi32>
        %get3A_612 = arith.index_cast %add3A_607 : i32 to index
        %get3A_613 = arith.index_cast %squeeze3A_609 : i32 to index
        %get3A_614 = tpu.vector_load %arg11[%get3A_612, %get3A_613] {strides = array<i32>} : memref<64x128xf32, #tpu.memory_space<vmem>>, vector<16xf32>,
        %add3A_615 = arith.constant 16 : i32
        %add3A_616 = arith.addi %squeeze3A_609, %add3A_615 : i32
        %get3A_617 = arith.index_cast %add3A_607 : i32 to index
        %get3A_618 = arith.index_cast %add3A_616 : i32 to index
        %get3A_619 = tpu.vector_load %arg11[%get3A_617, %get3A_618] {strides = array<i32>} : memref<64x128xf32, #tpu.memory_space<vmem>>, vector<16xf32>,
        %add3A_620 = arith.constant 32 : i32
        %add3A_621 = arith.addi %squeeze3A_609, %add3A_620 : i32
        %get3A_622 = arith.index_cast %add3A_607 : i32 to index
        %get3A_623 = arith.index_cast %add3A_621 : i32 to index
        %get3A_624 = tpu.vector_load %arg11[%get3A_622, %get3A_623] {strides = array<i32>} : memref<64x128xf32, #tpu.memory_space<vmem>>, vector<16xf32>,
        %add3A_625 = arith.constant 48 : i32
        %add3A_626 = arith.addi %squeeze3A_609, %add3A_625 : i32
        %get3A_627 = arith.index_cast %add3A_607 : i32 to index
        %get3A_628 = arith.index_cast %add3A_626 : i32 to index
        %get3A_629 = tpu.vector_load %arg11[%get3A_627, %get3A_628] {strides = array<i32>} : memref<64x128xf32, #tpu.memory_space<vmem>>, vector<16xf32>,
        %get3A_630 = arith.index_cast %add3A_607 : i32 to index
        %get3A_631 = arith.index_cast %squeeze3A_611 : i32 to index
        %get3A_632 = tpu.vector_load %arg12[%get3A_630, %get3A_631] {strides = array<i32>} : memref<64x128xf32, #tpu.memory_space<vmem>>, vector<16xf32>,
        %add3A_633 = arith.constant 16 : i32
        %add3A_634 = arith.addi %squeeze3A_611, %add3A_633 : i32
        %get3A_635 = arith.index_cast %add3A_607 : i32 to index
        %get3A_636 = arith.index_cast %add3A_634 : i32 to index
        %get3A_637 = tpu.vector_load %arg12[%get3A_635, %get3A_636] {strides = array<i32>} : memref<64x128xf32, #tpu.memory_space<vmem>>, vector<16xf32>,
        %add3A_638 = arith.constant 32 : i32
        %add3A_639 = arith.addi %squeeze3A_611, %add3A_638 : i32
        %get3A_640 = arith.index_cast %add3A_607 : i32 to index
        %get3A_641 = arith.index_cast %add3A_639 : i32 to index
        %get3A_642 = tpu.vector_load %arg12[%get3A_640, %get3A_641] {strides = array<i32>} : memref<64x128xf32, #tpu.memory_space<vmem>>, vector<16xf32>,
        %add3A_643 = arith.constant 48 : i32
        %add3A_644 = arith.addi %squeeze3A_611, %add3A_643 : i32
        %get3A_645 = arith.index_cast %add3A_607 : i32 to index
        %get3A_646 = arith.index_cast %add3A_644 : i32 to index
        %get3A_647 = tpu.vector_load %arg12[%get3A_645, %get3A_646] {strides = array<i32>} : memref<64x128xf32, #tpu.memory_space<vmem>>, vector<16xf32>,
        %mul3A_648 = arith.mulf %get3A_614, %get3A_614 : vector<16xf32>
        %mul3A_649 = arith.mulf %get3A_619, %get3A_619 : vector<16xf32>
        %add3A_650 = arith.addf %mul3A_648, %mul3A_649 : vector<16xf32>
        %mul3A_651 = arith.mulf %get3A_624, %get3A_624 : vector<16xf32>
        %mul3A_652 = arith.mulf %get3A_629, %get3A_629 : vector<16xf32>
        %add3A_653 = arith.addf %mul3A_651, %mul3A_652 : vector<16xf32>
        %add3A_654 = arith.addf %add3A_650, %add3A_653 : vector<16xf32>
        %mul3A_655 = arith.mulf %get3A_632, %get3A_632 : vector<16xf32>
        %mul3A_656 = arith.mulf %get3A_637, %get3A_637 : vector<16xf32>
        %add3A_657 = arith.addf %mul3A_655, %mul3A_656 : vector<16xf32>
        %mul3A_658 = arith.mulf %get3A_642, %get3A_642 : vector<16xf32>
        %mul3A_659 = arith.mulf %get3A_647, %get3A_647 : vector<16xf32>
        %add3A_660 = arith.addf %mul3A_658, %mul3A_659 : vector<16xf32>
        %add3A_661 = arith.addf %add3A_657, %add3A_660 : vector<16xf32>
        %mul3A_662 = arith.mulf %get3A_614, %get3A_632 : vector<16xf32>
        %mul3A_663 = arith.mulf %get3A_619, %get3A_637 : vector<16xf32>
        %add3A_664 = arith.addf %mul3A_662, %mul3A_663 : vector<16xf32>
        %mul3A_665 = arith.mulf %get3A_624, %get3A_642 : vector<16xf32>
        %mul3A_666 = arith.mulf %get3A_629, %get3A_647 : vector<16xf32>
        %add3A_667 = arith.addf %mul3A_665, %mul3A_666 : vector<16xf32>
        %add3A_668 = arith.addf %add3A_664, %add3A_667 : vector<16xf32>
        %broadcast_in_dim3A_669 = arith.constant 8 : i32
        %broadcast_in_dim3A_670 = vector.broadcast %broadcast_in_dim3A_669 : i32 to vector<16xi32>
        tpu.vector_store_idx %arg14[%iota3A, %broadcast_in_dim3A_670], %add3A_654 : memref<16x17xf32, #tpu.memory_space<vmem>>[vector<16xi32>, vector<16xi32>], vector<16xf32>,
        tpu.vector_store_idx %arg15[%iota3A, %broadcast_in_dim3A_670], %add3A_661 : memref<16x17xf32, #tpu.memory_space<vmem>>[vector<16xi32>, vector<16xi32>], vector<16xf32>,
        tpu.vector_store_idx %arg16[%iota3A, %broadcast_in_dim3A_670], %add3A_668 : memref<16x17xf32, #tpu.memory_space<vmem>>[vector<16xi32>, vector<16xi32>], vector<16xf32>,
        %mul3A_671 = arith.constant 16 : i32
        %mul3A_672 = arith.muli %scan3A_46, %mul3A_671 : i32
        %add3A_673 = arith.constant 9 : i32
        %add3A_674 = arith.addi %mul3A_672, %add3A_673 : i32
        %slice3A_675 = vector.extract_strided_slice %mul3A_57 {offsets = [9], sizes = [1], strides = [1]} : vector<16xi32> to vector<1xi32>
        %squeeze3A_676 = vector.extract %slice3A_675[0] : i32 from vector<1xi32>
        %slice3A_677 = vector.extract_strided_slice %mul3A_70 {offsets = [9], sizes = [1], strides = [1]} : vector<16xi32> to vector<1xi32>
        %squeeze3A_678 = vector.extract %slice3A_677[0] : i32 from vector<1xi32>
        %get3A_679 = arith.index_cast %add3A_674 : i32 to index
        %get3A_680 = arith.index_cast %squeeze3A_676 : i32 to index
        %get3A_681 = tpu.vector_load %arg11[%get3A_679, %get3A_680] {strides = array<i32>} : memref<64x128xf32, #tpu.memory_space<vmem>>, vector<16xf32>,
        %add3A_682 = arith.constant 16 : i32
        %add3A_683 = arith.addi %squeeze3A_676, %add3A_682 : i32
        %get3A_684 = arith.index_cast %add3A_674 : i32 to index
        %get3A_685 = arith.index_cast %add3A_683 : i32 to index
        %get3A_686 = tpu.vector_load %arg11[%get3A_684, %get3A_685] {strides = array<i32>} : memref<64x128xf32, #tpu.memory_space<vmem>>, vector<16xf32>,
        %add3A_687 = arith.constant 32 : i32
        %add3A_688 = arith.addi %squeeze3A_676, %add3A_687 : i32
        %get3A_689 = arith.index_cast %add3A_674 : i32 to index
        %get3A_690 = arith.index_cast %add3A_688 : i32 to index
        %get3A_691 = tpu.vector_load %arg11[%get3A_689, %get3A_690] {strides = array<i32>} : memref<64x128xf32, #tpu.memory_space<vmem>>, vector<16xf32>,
        %add3A_692 = arith.constant 48 : i32
        %add3A_693 = arith.addi %squeeze3A_676, %add3A_692 : i32
        %get3A_694 = arith.index_cast %add3A_674 : i32 to index
        %get3A_695 = arith.index_cast %add3A_693 : i32 to index
        %get3A_696 = tpu.vector_load %arg11[%get3A_694, %get3A_695] {strides = array<i32>} : memref<64x128xf32, #tpu.memory_space<vmem>>, vector<16xf32>,
        %get3A_697 = arith.index_cast %add3A_674 : i32 to index
        %get3A_698 = arith.index_cast %squeeze3A_678 : i32 to index
        %get3A_699 = tpu.vector_load %arg12[%get3A_697, %get3A_698] {strides = array<i32>} : memref<64x128xf32, #tpu.memory_space<vmem>>, vector<16xf32>,
        %add3A_700 = arith.constant 16 : i32
        %add3A_701 = arith.addi %squeeze3A_678, %add3A_700 : i32
        %get3A_702 = arith.index_cast %add3A_674 : i32 to index
        %get3A_703 = arith.index_cast %add3A_701 : i32 to index
        %get3A_704 = tpu.vector_load %arg12[%get3A_702, %get3A_703] {strides = array<i32>} : memref<64x128xf32, #tpu.memory_space<vmem>>, vector<16xf32>,
        %add3A_705 = arith.constant 32 : i32
        %add3A_706 = arith.addi %squeeze3A_678, %add3A_705 : i32
        %get3A_707 = arith.index_cast %add3A_674 : i32 to index
        %get3A_708 = arith.index_cast %add3A_706 : i32 to index
        %get3A_709 = tpu.vector_load %arg12[%get3A_707, %get3A_708] {strides = array<i32>} : memref<64x128xf32, #tpu.memory_space<vmem>>, vector<16xf32>,
        %add3A_710 = arith.constant 48 : i32
        %add3A_711 = arith.addi %squeeze3A_678, %add3A_710 : i32
        %get3A_712 = arith.index_cast %add3A_674 : i32 to index
        %get3A_713 = arith.index_cast %add3A_711 : i32 to index
        %get3A_714 = tpu.vector_load %arg12[%get3A_712, %get3A_713] {strides = array<i32>} : memref<64x128xf32, #tpu.memory_space<vmem>>, vector<16xf32>,
        %mul3A_715 = arith.mulf %get3A_681, %get3A_681 : vector<16xf32>
        %mul3A_716 = arith.mulf %get3A_686, %get3A_686 : vector<16xf32>
        %add3A_717 = arith.addf %mul3A_715, %mul3A_716 : vector<16xf32>
        %mul3A_718 = arith.mulf %get3A_691, %get3A_691 : vector<16xf32>
        %mul3A_719 = arith.mulf %get3A_696, %get3A_696 : vector<16xf32>
        %add3A_720 = arith.addf %mul3A_718, %mul3A_719 : vector<16xf32>
        %add3A_721 = arith.addf %add3A_717, %add3A_720 : vector<16xf32>
        %mul3A_722 = arith.mulf %get3A_699, %get3A_699 : vector<16xf32>
        %mul3A_723 = arith.mulf %get3A_704, %get3A_704 : vector<16xf32>
        %add3A_724 = arith.addf %mul3A_722, %mul3A_723 : vector<16xf32>
        %mul3A_725 = arith.mulf %get3A_709, %get3A_709 : vector<16xf32>
        %mul3A_726 = arith.mulf %get3A_714, %get3A_714 : vector<16xf32>
        %add3A_727 = arith.addf %mul3A_725, %mul3A_726 : vector<16xf32>
        %add3A_728 = arith.addf %add3A_724, %add3A_727 : vector<16xf32>
        %mul3A_729 = arith.mulf %get3A_681, %get3A_699 : vector<16xf32>
        %mul3A_730 = arith.mulf %get3A_686, %get3A_704 : vector<16xf32>
        %add3A_731 = arith.addf %mul3A_729, %mul3A_730 : vector<16xf32>
        %mul3A_732 = arith.mulf %get3A_691, %get3A_709 : vector<16xf32>
        %mul3A_733 = arith.mulf %get3A_696, %get3A_714 : vector<16xf32>
        %add3A_734 = arith.addf %mul3A_732, %mul3A_733 : vector<16xf32>
        %add3A_735 = arith.addf %add3A_731, %add3A_734 : vector<16xf32>
        %broadcast_in_dim3A_736 = arith.constant 9 : i32
        %broadcast_in_dim3A_737 = vector.broadcast %broadcast_in_dim3A_736 : i32 to vector<16xi32>
        tpu.vector_store_idx %arg14[%iota3A, %broadcast_in_dim3A_737], %add3A_721 : memref<16x17xf32, #tpu.memory_space<vmem>>[vector<16xi32>, vector<16xi32>], vector<16xf32>,
        tpu.vector_store_idx %arg15[%iota3A, %broadcast_in_dim3A_737], %add3A_728 : memref<16x17xf32, #tpu.memory_space<vmem>>[vector<16xi32>, vector<16xi32>], vector<16xf32>,
        tpu.vector_store_idx %arg16[%iota3A, %broadcast_in_dim3A_737], %add3A_735 : memref<16x17xf32, #tpu.memory_space<vmem>>[vector<16xi32>, vector<16xi32>], vector<16xf32>,
        %mul3A_738 = arith.constant 16 : i32
        %mul3A_739 = arith.muli %scan3A_46, %mul3A_738 : i32
        %add3A_740 = arith.constant 10 : i32
        %add3A_741 = arith.addi %mul3A_739, %add3A_740 : i32
        %slice3A_742 = vector.extract_strided_slice %mul3A_57 {offsets = [10], sizes = [1], strides = [1]} : vector<16xi32> to vector<1xi32>
        %squeeze3A_743 = vector.extract %slice3A_742[0] : i32 from vector<1xi32>
        %slice3A_744 = vector.extract_strided_slice %mul3A_70 {offsets = [10], sizes = [1], strides = [1]} : vector<16xi32> to vector<1xi32>
        %squeeze3A_745 = vector.extract %slice3A_744[0] : i32 from vector<1xi32>
        %get3A_746 = arith.index_cast %add3A_741 : i32 to index
        %get3A_747 = arith.index_cast %squeeze3A_743 : i32 to index
        %get3A_748 = tpu.vector_load %arg11[%get3A_746, %get3A_747] {strides = array<i32>} : memref<64x128xf32, #tpu.memory_space<vmem>>, vector<16xf32>,
        %add3A_749 = arith.constant 16 : i32
        %add3A_750 = arith.addi %squeeze3A_743, %add3A_749 : i32
        %get3A_751 = arith.index_cast %add3A_741 : i32 to index
        %get3A_752 = arith.index_cast %add3A_750 : i32 to index
        %get3A_753 = tpu.vector_load %arg11[%get3A_751, %get3A_752] {strides = array<i32>} : memref<64x128xf32, #tpu.memory_space<vmem>>, vector<16xf32>,
        %add3A_754 = arith.constant 32 : i32
        %add3A_755 = arith.addi %squeeze3A_743, %add3A_754 : i32
        %get3A_756 = arith.index_cast %add3A_741 : i32 to index
        %get3A_757 = arith.index_cast %add3A_755 : i32 to index
        %get3A_758 = tpu.vector_load %arg11[%get3A_756, %get3A_757] {strides = array<i32>} : memref<64x128xf32, #tpu.memory_space<vmem>>, vector<16xf32>,
        %add3A_759 = arith.constant 48 : i32
        %add3A_760 = arith.addi %squeeze3A_743, %add3A_759 : i32
        %get3A_761 = arith.index_cast %add3A_741 : i32 to index
        %get3A_762 = arith.index_cast %add3A_760 : i32 to index
        %get3A_763 = tpu.vector_load %arg11[%get3A_761, %get3A_762] {strides = array<i32>} : memref<64x128xf32, #tpu.memory_space<vmem>>, vector<16xf32>,
        %get3A_764 = arith.index_cast %add3A_741 : i32 to index
        %get3A_765 = arith.index_cast %squeeze3A_745 : i32 to index
        %get3A_766 = tpu.vector_load %arg12[%get3A_764, %get3A_765] {strides = array<i32>} : memref<64x128xf32, #tpu.memory_space<vmem>>, vector<16xf32>,
        %add3A_767 = arith.constant 16 : i32
        %add3A_768 = arith.addi %squeeze3A_745, %add3A_767 : i32
        %get3A_769 = arith.index_cast %add3A_741 : i32 to index
        %get3A_770 = arith.index_cast %add3A_768 : i32 to index
        %get3A_771 = tpu.vector_load %arg12[%get3A_769, %get3A_770] {strides = array<i32>} : memref<64x128xf32, #tpu.memory_space<vmem>>, vector<16xf32>,
        %add3A_772 = arith.constant 32 : i32
        %add3A_773 = arith.addi %squeeze3A_745, %add3A_772 : i32
        %get3A_774 = arith.index_cast %add3A_741 : i32 to index
        %get3A_775 = arith.index_cast %add3A_773 : i32 to index
        %get3A_776 = tpu.vector_load %arg12[%get3A_774, %get3A_775] {strides = array<i32>} : memref<64x128xf32, #tpu.memory_space<vmem>>, vector<16xf32>,
        %add3A_777 = arith.constant 48 : i32
        %add3A_778 = arith.addi %squeeze3A_745, %add3A_777 : i32
        %get3A_779 = arith.index_cast %add3A_741 : i32 to index
        %get3A_780 = arith.index_cast %add3A_778 : i32 to index
        %get3A_781 = tpu.vector_load %arg12[%get3A_779, %get3A_780] {strides = array<i32>} : memref<64x128xf32, #tpu.memory_space<vmem>>, vector<16xf32>,
        %mul3A_782 = arith.mulf %get3A_748, %get3A_748 : vector<16xf32>
        %mul3A_783 = arith.mulf %get3A_753, %get3A_753 : vector<16xf32>
        %add3A_784 = arith.addf %mul3A_782, %mul3A_783 : vector<16xf32>
        %mul3A_785 = arith.mulf %get3A_758, %get3A_758 : vector<16xf32>
        %mul3A_786 = arith.mulf %get3A_763, %get3A_763 : vector<16xf32>
        %add3A_787 = arith.addf %mul3A_785, %mul3A_786 : vector<16xf32>
        %add3A_788 = arith.addf %add3A_784, %add3A_787 : vector<16xf32>
        %mul3A_789 = arith.mulf %get3A_766, %get3A_766 : vector<16xf32>
        %mul3A_790 = arith.mulf %get3A_771, %get3A_771 : vector<16xf32>
        %add3A_791 = arith.addf %mul3A_789, %mul3A_790 : vector<16xf32>
        %mul3A_792 = arith.mulf %get3A_776, %get3A_776 : vector<16xf32>
        %mul3A_793 = arith.mulf %get3A_781, %get3A_781 : vector<16xf32>
        %add3A_794 = arith.addf %mul3A_792, %mul3A_793 : vector<16xf32>
        %add3A_795 = arith.addf %add3A_791, %add3A_794 : vector<16xf32>
        %mul3A_796 = arith.mulf %get3A_748, %get3A_766 : vector<16xf32>
        %mul3A_797 = arith.mulf %get3A_753, %get3A_771 : vector<16xf32>
        %add3A_798 = arith.addf %mul3A_796, %mul3A_797 : vector<16xf32>
        %mul3A_799 = arith.mulf %get3A_758, %get3A_776 : vector<16xf32>
        %mul3A_800 = arith.mulf %get3A_763, %get3A_781 : vector<16xf32>
        %add3A_801 = arith.addf %mul3A_799, %mul3A_800 : vector<16xf32>
        %add3A_802 = arith.addf %add3A_798, %add3A_801 : vector<16xf32>
        %broadcast_in_dim3A_803 = arith.constant 10 : i32
        %broadcast_in_dim3A_804 = vector.broadcast %broadcast_in_dim3A_803 : i32 to vector<16xi32>
        tpu.vector_store_idx %arg14[%iota3A, %broadcast_in_dim3A_804], %add3A_788 : memref<16x17xf32, #tpu.memory_space<vmem>>[vector<16xi32>, vector<16xi32>], vector<16xf32>,
        tpu.vector_store_idx %arg15[%iota3A, %broadcast_in_dim3A_804], %add3A_795 : memref<16x17xf32, #tpu.memory_space<vmem>>[vector<16xi32>, vector<16xi32>], vector<16xf32>,
        tpu.vector_store_idx %arg16[%iota3A, %broadcast_in_dim3A_804], %add3A_802 : memref<16x17xf32, #tpu.memory_space<vmem>>[vector<16xi32>, vector<16xi32>], vector<16xf32>,
        %mul3A_805 = arith.constant 16 : i32
        %mul3A_806 = arith.muli %scan3A_46, %mul3A_805 : i32
        %add3A_807 = arith.constant 11 : i32
        %add3A_808 = arith.addi %mul3A_806, %add3A_807 : i32
        %slice3A_809 = vector.extract_strided_slice %mul3A_57 {offsets = [11], sizes = [1], strides = [1]} : vector<16xi32> to vector<1xi32>
        %squeeze3A_810 = vector.extract %slice3A_809[0] : i32 from vector<1xi32>
        %slice3A_811 = vector.extract_strided_slice %mul3A_70 {offsets = [11], sizes = [1], strides = [1]} : vector<16xi32> to vector<1xi32>
        %squeeze3A_812 = vector.extract %slice3A_811[0] : i32 from vector<1xi32>
        %get3A_813 = arith.index_cast %add3A_808 : i32 to index
        %get3A_814 = arith.index_cast %squeeze3A_810 : i32 to index
        %get3A_815 = tpu.vector_load %arg11[%get3A_813, %get3A_814] {strides = array<i32>} : memref<64x128xf32, #tpu.memory_space<vmem>>, vector<16xf32>,
        %add3A_816 = arith.constant 16 : i32
        %add3A_817 = arith.addi %squeeze3A_810, %add3A_816 : i32
        %get3A_818 = arith.index_cast %add3A_808 : i32 to index
        %get3A_819 = arith.index_cast %add3A_817 : i32 to index
        %get3A_820 = tpu.vector_load %arg11[%get3A_818, %get3A_819] {strides = array<i32>} : memref<64x128xf32, #tpu.memory_space<vmem>>, vector<16xf32>,
        %add3A_821 = arith.constant 32 : i32
        %add3A_822 = arith.addi %squeeze3A_810, %add3A_821 : i32
        %get3A_823 = arith.index_cast %add3A_808 : i32 to index
        %get3A_824 = arith.index_cast %add3A_822 : i32 to index
        %get3A_825 = tpu.vector_load %arg11[%get3A_823, %get3A_824] {strides = array<i32>} : memref<64x128xf32, #tpu.memory_space<vmem>>, vector<16xf32>,
        %add3A_826 = arith.constant 48 : i32
        %add3A_827 = arith.addi %squeeze3A_810, %add3A_826 : i32
        %get3A_828 = arith.index_cast %add3A_808 : i32 to index
        %get3A_829 = arith.index_cast %add3A_827 : i32 to index
        %get3A_830 = tpu.vector_load %arg11[%get3A_828, %get3A_829] {strides = array<i32>} : memref<64x128xf32, #tpu.memory_space<vmem>>, vector<16xf32>,
        %get3A_831 = arith.index_cast %add3A_808 : i32 to index
        %get3A_832 = arith.index_cast %squeeze3A_812 : i32 to index
        %get3A_833 = tpu.vector_load %arg12[%get3A_831, %get3A_832] {strides = array<i32>} : memref<64x128xf32, #tpu.memory_space<vmem>>, vector<16xf32>,
        %add3A_834 = arith.constant 16 : i32
        %add3A_835 = arith.addi %squeeze3A_812, %add3A_834 : i32
        %get3A_836 = arith.index_cast %add3A_808 : i32 to index
        %get3A_837 = arith.index_cast %add3A_835 : i32 to index
        %get3A_838 = tpu.vector_load %arg12[%get3A_836, %get3A_837] {strides = array<i32>} : memref<64x128xf32, #tpu.memory_space<vmem>>, vector<16xf32>,
        %add3A_839 = arith.constant 32 : i32
        %add3A_840 = arith.addi %squeeze3A_812, %add3A_839 : i32
        %get3A_841 = arith.index_cast %add3A_808 : i32 to index
        %get3A_842 = arith.index_cast %add3A_840 : i32 to index
        %get3A_843 = tpu.vector_load %arg12[%get3A_841, %get3A_842] {strides = array<i32>} : memref<64x128xf32, #tpu.memory_space<vmem>>, vector<16xf32>,
        %add3A_844 = arith.constant 48 : i32
        %add3A_845 = arith.addi %squeeze3A_812, %add3A_844 : i32
        %get3A_846 = arith.index_cast %add3A_808 : i32 to index
        %get3A_847 = arith.index_cast %add3A_845 : i32 to index
        %get3A_848 = tpu.vector_load %arg12[%get3A_846, %get3A_847] {strides = array<i32>} : memref<64x128xf32, #tpu.memory_space<vmem>>, vector<16xf32>,
        %mul3A_849 = arith.mulf %get3A_815, %get3A_815 : vector<16xf32>
        %mul3A_850 = arith.mulf %get3A_820, %get3A_820 : vector<16xf32>
        %add3A_851 = arith.addf %mul3A_849, %mul3A_850 : vector<16xf32>
        %mul3A_852 = arith.mulf %get3A_825, %get3A_825 : vector<16xf32>
        %mul3A_853 = arith.mulf %get3A_830, %get3A_830 : vector<16xf32>
        %add3A_854 = arith.addf %mul3A_852, %mul3A_853 : vector<16xf32>
        %add3A_855 = arith.addf %add3A_851, %add3A_854 : vector<16xf32>
        %mul3A_856 = arith.mulf %get3A_833, %get3A_833 : vector<16xf32>
        %mul3A_857 = arith.mulf %get3A_838, %get3A_838 : vector<16xf32>
        %add3A_858 = arith.addf %mul3A_856, %mul3A_857 : vector<16xf32>
        %mul3A_859 = arith.mulf %get3A_843, %get3A_843 : vector<16xf32>
        %mul3A_860 = arith.mulf %get3A_848, %get3A_848 : vector<16xf32>
        %add3A_861 = arith.addf %mul3A_859, %mul3A_860 : vector<16xf32>
        %add3A_862 = arith.addf %add3A_858, %add3A_861 : vector<16xf32>
        %mul3A_863 = arith.mulf %get3A_815, %get3A_833 : vector<16xf32>
        %mul3A_864 = arith.mulf %get3A_820, %get3A_838 : vector<16xf32>
        %add3A_865 = arith.addf %mul3A_863, %mul3A_864 : vector<16xf32>
        %mul3A_866 = arith.mulf %get3A_825, %get3A_843 : vector<16xf32>
        %mul3A_867 = arith.mulf %get3A_830, %get3A_848 : vector<16xf32>
        %add3A_868 = arith.addf %mul3A_866, %mul3A_867 : vector<16xf32>
        %add3A_869 = arith.addf %add3A_865, %add3A_868 : vector<16xf32>
        %broadcast_in_dim3A_870 = arith.constant 11 : i32
        %broadcast_in_dim3A_871 = vector.broadcast %broadcast_in_dim3A_870 : i32 to vector<16xi32>
        tpu.vector_store_idx %arg14[%iota3A, %broadcast_in_dim3A_871], %add3A_855 : memref<16x17xf32, #tpu.memory_space<vmem>>[vector<16xi32>, vector<16xi32>], vector<16xf32>,
        tpu.vector_store_idx %arg15[%iota3A, %broadcast_in_dim3A_871], %add3A_862 : memref<16x17xf32, #tpu.memory_space<vmem>>[vector<16xi32>, vector<16xi32>], vector<16xf32>,
        tpu.vector_store_idx %arg16[%iota3A, %broadcast_in_dim3A_871], %add3A_869 : memref<16x17xf32, #tpu.memory_space<vmem>>[vector<16xi32>, vector<16xi32>], vector<16xf32>,
        %mul3A_872 = arith.constant 16 : i32
        %mul3A_873 = arith.muli %scan3A_46, %mul3A_872 : i32
        %add3A_874 = arith.constant 12 : i32
        %add3A_875 = arith.addi %mul3A_873, %add3A_874 : i32
        %slice3A_876 = vector.extract_strided_slice %mul3A_57 {offsets = [12], sizes = [1], strides = [1]} : vector<16xi32> to vector<1xi32>
        %squeeze3A_877 = vector.extract %slice3A_876[0] : i32 from vector<1xi32>
        %slice3A_878 = vector.extract_strided_slice %mul3A_70 {offsets = [12], sizes = [1], strides = [1]} : vector<16xi32> to vector<1xi32>
        %squeeze3A_879 = vector.extract %slice3A_878[0] : i32 from vector<1xi32>
        %get3A_880 = arith.index_cast %add3A_875 : i32 to index
        %get3A_881 = arith.index_cast %squeeze3A_877 : i32 to index
        %get3A_882 = tpu.vector_load %arg11[%get3A_880, %get3A_881] {strides = array<i32>} : memref<64x128xf32, #tpu.memory_space<vmem>>, vector<16xf32>,
        %add3A_883 = arith.constant 16 : i32
        %add3A_884 = arith.addi %squeeze3A_877, %add3A_883 : i32
        %get3A_885 = arith.index_cast %add3A_875 : i32 to index
        %get3A_886 = arith.index_cast %add3A_884 : i32 to index
        %get3A_887 = tpu.vector_load %arg11[%get3A_885, %get3A_886] {strides = array<i32>} : memref<64x128xf32, #tpu.memory_space<vmem>>, vector<16xf32>,
        %add3A_888 = arith.constant 32 : i32
        %add3A_889 = arith.addi %squeeze3A_877, %add3A_888 : i32
        %get3A_890 = arith.index_cast %add3A_875 : i32 to index
        %get3A_891 = arith.index_cast %add3A_889 : i32 to index
        %get3A_892 = tpu.vector_load %arg11[%get3A_890, %get3A_891] {strides = array<i32>} : memref<64x128xf32, #tpu.memory_space<vmem>>, vector<16xf32>,
        %add3A_893 = arith.constant 48 : i32
        %add3A_894 = arith.addi %squeeze3A_877, %add3A_893 : i32
        %get3A_895 = arith.index_cast %add3A_875 : i32 to index
        %get3A_896 = arith.index_cast %add3A_894 : i32 to index
        %get3A_897 = tpu.vector_load %arg11[%get3A_895, %get3A_896] {strides = array<i32>} : memref<64x128xf32, #tpu.memory_space<vmem>>, vector<16xf32>,
        %get3A_898 = arith.index_cast %add3A_875 : i32 to index
        %get3A_899 = arith.index_cast %squeeze3A_879 : i32 to index
        %get3A_900 = tpu.vector_load %arg12[%get3A_898, %get3A_899] {strides = array<i32>} : memref<64x128xf32, #tpu.memory_space<vmem>>, vector<16xf32>,
        %add3A_901 = arith.constant 16 : i32
        %add3A_902 = arith.addi %squeeze3A_879, %add3A_901 : i32
        %get3A_903 = arith.index_cast %add3A_875 : i32 to index
        %get3A_904 = arith.index_cast %add3A_902 : i32 to index
        %get3A_905 = tpu.vector_load %arg12[%get3A_903, %get3A_904] {strides = array<i32>} : memref<64x128xf32, #tpu.memory_space<vmem>>, vector<16xf32>,
        %add3A_906 = arith.constant 32 : i32
        %add3A_907 = arith.addi %squeeze3A_879, %add3A_906 : i32
        %get3A_908 = arith.index_cast %add3A_875 : i32 to index
        %get3A_909 = arith.index_cast %add3A_907 : i32 to index
        %get3A_910 = tpu.vector_load %arg12[%get3A_908, %get3A_909] {strides = array<i32>} : memref<64x128xf32, #tpu.memory_space<vmem>>, vector<16xf32>,
        %add3A_911 = arith.constant 48 : i32
        %add3A_912 = arith.addi %squeeze3A_879, %add3A_911 : i32
        %get3A_913 = arith.index_cast %add3A_875 : i32 to index
        %get3A_914 = arith.index_cast %add3A_912 : i32 to index
        %get3A_915 = tpu.vector_load %arg12[%get3A_913, %get3A_914] {strides = array<i32>} : memref<64x128xf32, #tpu.memory_space<vmem>>, vector<16xf32>,
        %mul3A_916 = arith.mulf %get3A_882, %get3A_882 : vector<16xf32>
        %mul3A_917 = arith.mulf %get3A_887, %get3A_887 : vector<16xf32>
        %add3A_918 = arith.addf %mul3A_916, %mul3A_917 : vector<16xf32>
        %mul3A_919 = arith.mulf %get3A_892, %get3A_892 : vector<16xf32>
        %mul3A_920 = arith.mulf %get3A_897, %get3A_897 : vector<16xf32>
        %add3A_921 = arith.addf %mul3A_919, %mul3A_920 : vector<16xf32>
        %add3A_922 = arith.addf %add3A_918, %add3A_921 : vector<16xf32>
        %mul3A_923 = arith.mulf %get3A_900, %get3A_900 : vector<16xf32>
        %mul3A_924 = arith.mulf %get3A_905, %get3A_905 : vector<16xf32>
        %add3A_925 = arith.addf %mul3A_923, %mul3A_924 : vector<16xf32>
        %mul3A_926 = arith.mulf %get3A_910, %get3A_910 : vector<16xf32>
        %mul3A_927 = arith.mulf %get3A_915, %get3A_915 : vector<16xf32>
        %add3A_928 = arith.addf %mul3A_926, %mul3A_927 : vector<16xf32>
        %add3A_929 = arith.addf %add3A_925, %add3A_928 : vector<16xf32>
        %mul3A_930 = arith.mulf %get3A_882, %get3A_900 : vector<16xf32>
        %mul3A_931 = arith.mulf %get3A_887, %get3A_905 : vector<16xf32>
        %add3A_932 = arith.addf %mul3A_930, %mul3A_931 : vector<16xf32>
        %mul3A_933 = arith.mulf %get3A_892, %get3A_910 : vector<16xf32>
        %mul3A_934 = arith.mulf %get3A_897, %get3A_915 : vector<16xf32>
        %add3A_935 = arith.addf %mul3A_933, %mul3A_934 : vector<16xf32>
        %add3A_936 = arith.addf %add3A_932, %add3A_935 : vector<16xf32>
        %broadcast_in_dim3A_937 = arith.constant 12 : i32
        %broadcast_in_dim3A_938 = vector.broadcast %broadcast_in_dim3A_937 : i32 to vector<16xi32>
        tpu.vector_store_idx %arg14[%iota3A, %broadcast_in_dim3A_938], %add3A_922 : memref<16x17xf32, #tpu.memory_space<vmem>>[vector<16xi32>, vector<16xi32>], vector<16xf32>,
        tpu.vector_store_idx %arg15[%iota3A, %broadcast_in_dim3A_938], %add3A_929 : memref<16x17xf32, #tpu.memory_space<vmem>>[vector<16xi32>, vector<16xi32>], vector<16xf32>,
        tpu.vector_store_idx %arg16[%iota3A, %broadcast_in_dim3A_938], %add3A_936 : memref<16x17xf32, #tpu.memory_space<vmem>>[vector<16xi32>, vector<16xi32>], vector<16xf32>,
        %mul3A_939 = arith.constant 16 : i32
        %mul3A_940 = arith.muli %scan3A_46, %mul3A_939 : i32
        %add3A_941 = arith.constant 13 : i32
        %add3A_942 = arith.addi %mul3A_940, %add3A_941 : i32
        %slice3A_943 = vector.extract_strided_slice %mul3A_57 {offsets = [13], sizes = [1], strides = [1]} : vector<16xi32> to vector<1xi32>
        %squeeze3A_944 = vector.extract %slice3A_943[0] : i32 from vector<1xi32>
        %slice3A_945 = vector.extract_strided_slice %mul3A_70 {offsets = [13], sizes = [1], strides = [1]} : vector<16xi32> to vector<1xi32>
        %squeeze3A_946 = vector.extract %slice3A_945[0] : i32 from vector<1xi32>
        %get3A_947 = arith.index_cast %add3A_942 : i32 to index
        %get3A_948 = arith.index_cast %squeeze3A_944 : i32 to index
        %get3A_949 = tpu.vector_load %arg11[%get3A_947, %get3A_948] {strides = array<i32>} : memref<64x128xf32, #tpu.memory_space<vmem>>, vector<16xf32>,
        %add3A_950 = arith.constant 16 : i32
        %add3A_951 = arith.addi %squeeze3A_944, %add3A_950 : i32
        %get3A_952 = arith.index_cast %add3A_942 : i32 to index
        %get3A_953 = arith.index_cast %add3A_951 : i32 to index
        %get3A_954 = tpu.vector_load %arg11[%get3A_952, %get3A_953] {strides = array<i32>} : memref<64x128xf32, #tpu.memory_space<vmem>>, vector<16xf32>,
        %add3A_955 = arith.constant 32 : i32
        %add3A_956 = arith.addi %squeeze3A_944, %add3A_955 : i32
        %get3A_957 = arith.index_cast %add3A_942 : i32 to index
        %get3A_958 = arith.index_cast %add3A_956 : i32 to index
        %get3A_959 = tpu.vector_load %arg11[%get3A_957, %get3A_958] {strides = array<i32>} : memref<64x128xf32, #tpu.memory_space<vmem>>, vector<16xf32>,
        %add3A_960 = arith.constant 48 : i32
        %add3A_961 = arith.addi %squeeze3A_944, %add3A_960 : i32
        %get3A_962 = arith.index_cast %add3A_942 : i32 to index
        %get3A_963 = arith.index_cast %add3A_961 : i32 to index
        %get3A_964 = tpu.vector_load %arg11[%get3A_962, %get3A_963] {strides = array<i32>} : memref<64x128xf32, #tpu.memory_space<vmem>>, vector<16xf32>,
        %get3A_965 = arith.index_cast %add3A_942 : i32 to index
        %get3A_966 = arith.index_cast %squeeze3A_946 : i32 to index
        %get3A_967 = tpu.vector_load %arg12[%get3A_965, %get3A_966] {strides = array<i32>} : memref<64x128xf32, #tpu.memory_space<vmem>>, vector<16xf32>,
        %add3A_968 = arith.constant 16 : i32
        %add3A_969 = arith.addi %squeeze3A_946, %add3A_968 : i32
        %get3A_970 = arith.index_cast %add3A_942 : i32 to index
        %get3A_971 = arith.index_cast %add3A_969 : i32 to index
        %get3A_972 = tpu.vector_load %arg12[%get3A_970, %get3A_971] {strides = array<i32>} : memref<64x128xf32, #tpu.memory_space<vmem>>, vector<16xf32>,
        %add3A_973 = arith.constant 32 : i32
        %add3A_974 = arith.addi %squeeze3A_946, %add3A_973 : i32
        %get3A_975 = arith.index_cast %add3A_942 : i32 to index
        %get3A_976 = arith.index_cast %add3A_974 : i32 to index
        %get3A_977 = tpu.vector_load %arg12[%get3A_975, %get3A_976] {strides = array<i32>} : memref<64x128xf32, #tpu.memory_space<vmem>>, vector<16xf32>,
        %add3A_978 = arith.constant 48 : i32
        %add3A_979 = arith.addi %squeeze3A_946, %add3A_978 : i32
        %get3A_980 = arith.index_cast %add3A_942 : i32 to index
        %get3A_981 = arith.index_cast %add3A_979 : i32 to index
        %get3A_982 = tpu.vector_load %arg12[%get3A_980, %get3A_981] {strides = array<i32>} : memref<64x128xf32, #tpu.memory_space<vmem>>, vector<16xf32>,
        %mul3A_983 = arith.mulf %get3A_949, %get3A_949 : vector<16xf32>
        %mul3A_984 = arith.mulf %get3A_954, %get3A_954 : vector<16xf32>
        %add3A_985 = arith.addf %mul3A_983, %mul3A_984 : vector<16xf32>
        %mul3A_986 = arith.mulf %get3A_959, %get3A_959 : vector<16xf32>
        %mul3A_987 = arith.mulf %get3A_964, %get3A_964 : vector<16xf32>
        %add3A_988 = arith.addf %mul3A_986, %mul3A_987 : vector<16xf32>
        %add3A_989 = arith.addf %add3A_985, %add3A_988 : vector<16xf32>
        %mul3A_990 = arith.mulf %get3A_967, %get3A_967 : vector<16xf32>
        %mul3A_991 = arith.mulf %get3A_972, %get3A_972 : vector<16xf32>
        %add3A_992 = arith.addf %mul3A_990, %mul3A_991 : vector<16xf32>
        %mul3A_993 = arith.mulf %get3A_977, %get3A_977 : vector<16xf32>
        %mul3A_994 = arith.mulf %get3A_982, %get3A_982 : vector<16xf32>
        %add3A_995 = arith.addf %mul3A_993, %mul3A_994 : vector<16xf32>
        %add3A_996 = arith.addf %add3A_992, %add3A_995 : vector<16xf32>
        %mul3A_997 = arith.mulf %get3A_949, %get3A_967 : vector<16xf32>
        %mul3A_998 = arith.mulf %get3A_954, %get3A_972 : vector<16xf32>
        %add3A_999 = arith.addf %mul3A_997, %mul3A_998 : vector<16xf32>
        %mul3A_1000 = arith.mulf %get3A_959, %get3A_977 : vector<16xf32>
        %mul3A_1001 = arith.mulf %get3A_964, %get3A_982 : vector<16xf32>
        %add3A_1002 = arith.addf %mul3A_1000, %mul3A_1001 : vector<16xf32>
        %add3A_1003 = arith.addf %add3A_999, %add3A_1002 : vector<16xf32>
        %broadcast_in_dim3A_1004 = arith.constant 13 : i32
        %broadcast_in_dim3A_1005 = vector.broadcast %broadcast_in_dim3A_1004 : i32 to vector<16xi32>
        tpu.vector_store_idx %arg14[%iota3A, %broadcast_in_dim3A_1005], %add3A_989 : memref<16x17xf32, #tpu.memory_space<vmem>>[vector<16xi32>, vector<16xi32>], vector<16xf32>,
        tpu.vector_store_idx %arg15[%iota3A, %broadcast_in_dim3A_1005], %add3A_996 : memref<16x17xf32, #tpu.memory_space<vmem>>[vector<16xi32>, vector<16xi32>], vector<16xf32>,
        tpu.vector_store_idx %arg16[%iota3A, %broadcast_in_dim3A_1005], %add3A_1003 : memref<16x17xf32, #tpu.memory_space<vmem>>[vector<16xi32>, vector<16xi32>], vector<16xf32>,
        %mul3A_1006 = arith.constant 16 : i32
        %mul3A_1007 = arith.muli %scan3A_46, %mul3A_1006 : i32
        %add3A_1008 = arith.constant 14 : i32
        %add3A_1009 = arith.addi %mul3A_1007, %add3A_1008 : i32
        %slice3A_1010 = vector.extract_strided_slice %mul3A_57 {offsets = [14], sizes = [1], strides = [1]} : vector<16xi32> to vector<1xi32>
        %squeeze3A_1011 = vector.extract %slice3A_1010[0] : i32 from vector<1xi32>
        %slice3A_1012 = vector.extract_strided_slice %mul3A_70 {offsets = [14], sizes = [1], strides = [1]} : vector<16xi32> to vector<1xi32>
        %squeeze3A_1013 = vector.extract %slice3A_1012[0] : i32 from vector<1xi32>
        %get3A_1014 = arith.index_cast %add3A_1009 : i32 to index
        %get3A_1015 = arith.index_cast %squeeze3A_1011 : i32 to index
        %get3A_1016 = tpu.vector_load %arg11[%get3A_1014, %get3A_1015] {strides = array<i32>} : memref<64x128xf32, #tpu.memory_space<vmem>>, vector<16xf32>,
        %add3A_1017 = arith.constant 16 : i32
        %add3A_1018 = arith.addi %squeeze3A_1011, %add3A_1017 : i32
        %get3A_1019 = arith.index_cast %add3A_1009 : i32 to index
        %get3A_1020 = arith.index_cast %add3A_1018 : i32 to index
        %get3A_1021 = tpu.vector_load %arg11[%get3A_1019, %get3A_1020] {strides = array<i32>} : memref<64x128xf32, #tpu.memory_space<vmem>>, vector<16xf32>,
        %add3A_1022 = arith.constant 32 : i32
        %add3A_1023 = arith.addi %squeeze3A_1011, %add3A_1022 : i32
        %get3A_1024 = arith.index_cast %add3A_1009 : i32 to index
        %get3A_1025 = arith.index_cast %add3A_1023 : i32 to index
        %get3A_1026 = tpu.vector_load %arg11[%get3A_1024, %get3A_1025] {strides = array<i32>} : memref<64x128xf32, #tpu.memory_space<vmem>>, vector<16xf32>,
        %add3A_1027 = arith.constant 48 : i32
        %add3A_1028 = arith.addi %squeeze3A_1011, %add3A_1027 : i32
        %get3A_1029 = arith.index_cast %add3A_1009 : i32 to index
        %get3A_1030 = arith.index_cast %add3A_1028 : i32 to index
        %get3A_1031 = tpu.vector_load %arg11[%get3A_1029, %get3A_1030] {strides = array<i32>} : memref<64x128xf32, #tpu.memory_space<vmem>>, vector<16xf32>,
        %get3A_1032 = arith.index_cast %add3A_1009 : i32 to index
        %get3A_1033 = arith.index_cast %squeeze3A_1013 : i32 to index
        %get3A_1034 = tpu.vector_load %arg12[%get3A_1032, %get3A_1033] {strides = array<i32>} : memref<64x128xf32, #tpu.memory_space<vmem>>, vector<16xf32>,
        %add3A_1035 = arith.constant 16 : i32
        %add3A_1036 = arith.addi %squeeze3A_1013, %add3A_1035 : i32
        %get3A_1037 = arith.index_cast %add3A_1009 : i32 to index
        %get3A_1038 = arith.index_cast %add3A_1036 : i32 to index
        %get3A_1039 = tpu.vector_load %arg12[%get3A_1037, %get3A_1038] {strides = array<i32>} : memref<64x128xf32, #tpu.memory_space<vmem>>, vector<16xf32>,
        %add3A_1040 = arith.constant 32 : i32
        %add3A_1041 = arith.addi %squeeze3A_1013, %add3A_1040 : i32
        %get3A_1042 = arith.index_cast %add3A_1009 : i32 to index
        %get3A_1043 = arith.index_cast %add3A_1041 : i32 to index
        %get3A_1044 = tpu.vector_load %arg12[%get3A_1042, %get3A_1043] {strides = array<i32>} : memref<64x128xf32, #tpu.memory_space<vmem>>, vector<16xf32>,
        %add3A_1045 = arith.constant 48 : i32
        %add3A_1046 = arith.addi %squeeze3A_1013, %add3A_1045 : i32
        %get3A_1047 = arith.index_cast %add3A_1009 : i32 to index
        %get3A_1048 = arith.index_cast %add3A_1046 : i32 to index
        %get3A_1049 = tpu.vector_load %arg12[%get3A_1047, %get3A_1048] {strides = array<i32>} : memref<64x128xf32, #tpu.memory_space<vmem>>, vector<16xf32>,
        %mul3A_1050 = arith.mulf %get3A_1016, %get3A_1016 : vector<16xf32>
        %mul3A_1051 = arith.mulf %get3A_1021, %get3A_1021 : vector<16xf32>
        %add3A_1052 = arith.addf %mul3A_1050, %mul3A_1051 : vector<16xf32>
        %mul3A_1053 = arith.mulf %get3A_1026, %get3A_1026 : vector<16xf32>
        %mul3A_1054 = arith.mulf %get3A_1031, %get3A_1031 : vector<16xf32>
        %add3A_1055 = arith.addf %mul3A_1053, %mul3A_1054 : vector<16xf32>
        %add3A_1056 = arith.addf %add3A_1052, %add3A_1055 : vector<16xf32>
        %mul3A_1057 = arith.mulf %get3A_1034, %get3A_1034 : vector<16xf32>
        %mul3A_1058 = arith.mulf %get3A_1039, %get3A_1039 : vector<16xf32>
        %add3A_1059 = arith.addf %mul3A_1057, %mul3A_1058 : vector<16xf32>
        %mul3A_1060 = arith.mulf %get3A_1044, %get3A_1044 : vector<16xf32>
        %mul3A_1061 = arith.mulf %get3A_1049, %get3A_1049 : vector<16xf32>
        %add3A_1062 = arith.addf %mul3A_1060, %mul3A_1061 : vector<16xf32>
        %add3A_1063 = arith.addf %add3A_1059, %add3A_1062 : vector<16xf32>
        %mul3A_1064 = arith.mulf %get3A_1016, %get3A_1034 : vector<16xf32>
        %mul3A_1065 = arith.mulf %get3A_1021, %get3A_1039 : vector<16xf32>
        %add3A_1066 = arith.addf %mul3A_1064, %mul3A_1065 : vector<16xf32>
        %mul3A_1067 = arith.mulf %get3A_1026, %get3A_1044 : vector<16xf32>
        %mul3A_1068 = arith.mulf %get3A_1031, %get3A_1049 : vector<16xf32>
        %add3A_1069 = arith.addf %mul3A_1067, %mul3A_1068 : vector<16xf32>
        %add3A_1070 = arith.addf %add3A_1066, %add3A_1069 : vector<16xf32>
        %broadcast_in_dim3A_1071 = arith.constant 14 : i32
        %broadcast_in_dim3A_1072 = vector.broadcast %broadcast_in_dim3A_1071 : i32 to vector<16xi32>
        tpu.vector_store_idx %arg14[%iota3A, %broadcast_in_dim3A_1072], %add3A_1056 : memref<16x17xf32, #tpu.memory_space<vmem>>[vector<16xi32>, vector<16xi32>], vector<16xf32>,
        tpu.vector_store_idx %arg15[%iota3A, %broadcast_in_dim3A_1072], %add3A_1063 : memref<16x17xf32, #tpu.memory_space<vmem>>[vector<16xi32>, vector<16xi32>], vector<16xf32>,
        tpu.vector_store_idx %arg16[%iota3A, %broadcast_in_dim3A_1072], %add3A_1070 : memref<16x17xf32, #tpu.memory_space<vmem>>[vector<16xi32>, vector<16xi32>], vector<16xf32>,
        %mul3A_1073 = arith.constant 16 : i32
        %mul3A_1074 = arith.muli %scan3A_46, %mul3A_1073 : i32
        %add3A_1075 = arith.constant 15 : i32
        %add3A_1076 = arith.addi %mul3A_1074, %add3A_1075 : i32
        %slice3A_1077 = vector.extract_strided_slice %mul3A_57 {offsets = [15], sizes = [1], strides = [1]} : vector<16xi32> to vector<1xi32>
        %squeeze3A_1078 = vector.extract %slice3A_1077[0] : i32 from vector<1xi32>
        %slice3A_1079 = vector.extract_strided_slice %mul3A_70 {offsets = [15], sizes = [1], strides = [1]} : vector<16xi32> to vector<1xi32>
        %squeeze3A_1080 = vector.extract %slice3A_1079[0] : i32 from vector<1xi32>
        %get3A_1081 = arith.index_cast %add3A_1076 : i32 to index
        %get3A_1082 = arith.index_cast %squeeze3A_1078 : i32 to index
        %get3A_1083 = tpu.vector_load %arg11[%get3A_1081, %get3A_1082] {strides = array<i32>} : memref<64x128xf32, #tpu.memory_space<vmem>>, vector<16xf32>,
        %add3A_1084 = arith.constant 16 : i32
        %add3A_1085 = arith.addi %squeeze3A_1078, %add3A_1084 : i32
        %get3A_1086 = arith.index_cast %add3A_1076 : i32 to index
        %get3A_1087 = arith.index_cast %add3A_1085 : i32 to index
        %get3A_1088 = tpu.vector_load %arg11[%get3A_1086, %get3A_1087] {strides = array<i32>} : memref<64x128xf32, #tpu.memory_space<vmem>>, vector<16xf32>,
        %add3A_1089 = arith.constant 32 : i32
        %add3A_1090 = arith.addi %squeeze3A_1078, %add3A_1089 : i32
        %get3A_1091 = arith.index_cast %add3A_1076 : i32 to index
        %get3A_1092 = arith.index_cast %add3A_1090 : i32 to index
        %get3A_1093 = tpu.vector_load %arg11[%get3A_1091, %get3A_1092] {strides = array<i32>} : memref<64x128xf32, #tpu.memory_space<vmem>>, vector<16xf32>,
        %add3A_1094 = arith.constant 48 : i32
        %add3A_1095 = arith.addi %squeeze3A_1078, %add3A_1094 : i32
        %get3A_1096 = arith.index_cast %add3A_1076 : i32 to index
        %get3A_1097 = arith.index_cast %add3A_1095 : i32 to index
        %get3A_1098 = tpu.vector_load %arg11[%get3A_1096, %get3A_1097] {strides = array<i32>} : memref<64x128xf32, #tpu.memory_space<vmem>>, vector<16xf32>,
        %get3A_1099 = arith.index_cast %add3A_1076 : i32 to index
        %get3A_1100 = arith.index_cast %squeeze3A_1080 : i32 to index
        %get3A_1101 = tpu.vector_load %arg12[%get3A_1099, %get3A_1100] {strides = array<i32>} : memref<64x128xf32, #tpu.memory_space<vmem>>, vector<16xf32>,
        %add3A_1102 = arith.constant 16 : i32
        %add3A_1103 = arith.addi %squeeze3A_1080, %add3A_1102 : i32
        %get3A_1104 = arith.index_cast %add3A_1076 : i32 to index
        %get3A_1105 = arith.index_cast %add3A_1103 : i32 to index
        %get3A_1106 = tpu.vector_load %arg12[%get3A_1104, %get3A_1105] {strides = array<i32>} : memref<64x128xf32, #tpu.memory_space<vmem>>, vector<16xf32>,
        %add3A_1107 = arith.constant 32 : i32
        %add3A_1108 = arith.addi %squeeze3A_1080, %add3A_1107 : i32
        %get3A_1109 = arith.index_cast %add3A_1076 : i32 to index
        %get3A_1110 = arith.index_cast %add3A_1108 : i32 to index
        %get3A_1111 = tpu.vector_load %arg12[%get3A_1109, %get3A_1110] {strides = array<i32>} : memref<64x128xf32, #tpu.memory_space<vmem>>, vector<16xf32>,
        %add3A_1112 = arith.constant 48 : i32
        %add3A_1113 = arith.addi %squeeze3A_1080, %add3A_1112 : i32
        %get3A_1114 = arith.index_cast %add3A_1076 : i32 to index
        %get3A_1115 = arith.index_cast %add3A_1113 : i32 to index
        %get3A_1116 = tpu.vector_load %arg12[%get3A_1114, %get3A_1115] {strides = array<i32>} : memref<64x128xf32, #tpu.memory_space<vmem>>, vector<16xf32>,
        %mul3A_1117 = arith.mulf %get3A_1083, %get3A_1083 : vector<16xf32>
        %mul3A_1118 = arith.mulf %get3A_1088, %get3A_1088 : vector<16xf32>
        %add3A_1119 = arith.addf %mul3A_1117, %mul3A_1118 : vector<16xf32>
        %mul3A_1120 = arith.mulf %get3A_1093, %get3A_1093 : vector<16xf32>
        %mul3A_1121 = arith.mulf %get3A_1098, %get3A_1098 : vector<16xf32>
        %add3A_1122 = arith.addf %mul3A_1120, %mul3A_1121 : vector<16xf32>
        %add3A_1123 = arith.addf %add3A_1119, %add3A_1122 : vector<16xf32>
        %mul3A_1124 = arith.mulf %get3A_1101, %get3A_1101 : vector<16xf32>
        %mul3A_1125 = arith.mulf %get3A_1106, %get3A_1106 : vector<16xf32>
        %add3A_1126 = arith.addf %mul3A_1124, %mul3A_1125 : vector<16xf32>
        %mul3A_1127 = arith.mulf %get3A_1111, %get3A_1111 : vector<16xf32>
        %mul3A_1128 = arith.mulf %get3A_1116, %get3A_1116 : vector<16xf32>
        %add3A_1129 = arith.addf %mul3A_1127, %mul3A_1128 : vector<16xf32>
        %add3A_1130 = arith.addf %add3A_1126, %add3A_1129 : vector<16xf32>
        %mul3A_1131 = arith.mulf %get3A_1083, %get3A_1101 : vector<16xf32>
        %mul3A_1132 = arith.mulf %get3A_1088, %get3A_1106 : vector<16xf32>
        %add3A_1133 = arith.addf %mul3A_1131, %mul3A_1132 : vector<16xf32>
        %mul3A_1134 = arith.mulf %get3A_1093, %get3A_1111 : vector<16xf32>
        %mul3A_1135 = arith.mulf %get3A_1098, %get3A_1116 : vector<16xf32>
        %add3A_1136 = arith.addf %mul3A_1134, %mul3A_1135 : vector<16xf32>
        %add3A_1137 = arith.addf %add3A_1133, %add3A_1136 : vector<16xf32>
        %broadcast_in_dim3A_1138 = arith.constant 15 : i32
        %broadcast_in_dim3A_1139 = vector.broadcast %broadcast_in_dim3A_1138 : i32 to vector<16xi32>
        tpu.vector_store_idx %arg14[%iota3A, %broadcast_in_dim3A_1139], %add3A_1123 : memref<16x17xf32, #tpu.memory_space<vmem>>[vector<16xi32>, vector<16xi32>], vector<16xf32>,
        tpu.vector_store_idx %arg15[%iota3A, %broadcast_in_dim3A_1139], %add3A_1130 : memref<16x17xf32, #tpu.memory_space<vmem>>[vector<16xi32>, vector<16xi32>], vector<16xf32>,
        tpu.vector_store_idx %arg16[%iota3A, %broadcast_in_dim3A_1139], %add3A_1137 : memref<16x17xf32, #tpu.memory_space<vmem>>[vector<16xi32>, vector<16xi32>], vector<16xf32>,
        %get3A_1140 = arith.constant 0 : i32
        %get3A_1141 = arith.index_cast %get3A_1140 : i32 to index
        %get3A_1142 = arith.constant 0 : index
        %get3A_1143 = tpu.vector_load %arg14[%get3A_1141, %get3A_1142] {strides = array<i32>} : memref<16x17xf32, #tpu.memory_space<vmem>>, vector<16xf32>,
        %get3A_1144 = arith.constant 0 : i32
        %get3A_1145 = arith.index_cast %get3A_1144 : i32 to index
        %get3A_1146 = arith.constant 0 : index
        %get3A_1147 = tpu.vector_load %arg15[%get3A_1145, %get3A_1146] {strides = array<i32>} : memref<16x17xf32, #tpu.memory_space<vmem>>, vector<16xf32>,
        %get3A_1148 = arith.constant 0 : i32
        %get3A_1149 = arith.index_cast %get3A_1148 : i32 to index
        %get3A_1150 = arith.constant 0 : index
        %get3A_1151 = tpu.vector_load %arg16[%get3A_1149, %get3A_1150] {strides = array<i32>} : memref<16x17xf32, #tpu.memory_space<vmem>>, vector<16xf32>,
        %get3A_1152 = arith.constant 1 : i32
        %get3A_1153 = arith.index_cast %get3A_1152 : i32 to index
        %get3A_1154 = arith.constant 0 : index
        %get3A_1155 = tpu.vector_load %arg14[%get3A_1153, %get3A_1154] {strides = array<i32>} : memref<16x17xf32, #tpu.memory_space<vmem>>, vector<16xf32>,
        %add3A_1156 = arith.addf %get3A_1143, %get3A_1155 : vector<16xf32>
        %get3A_1157 = arith.constant 1 : i32
        %get3A_1158 = arith.index_cast %get3A_1157 : i32 to index
        %get3A_1159 = arith.constant 0 : index
        %get3A_1160 = tpu.vector_load %arg15[%get3A_1158, %get3A_1159] {strides = array<i32>} : memref<16x17xf32, #tpu.memory_space<vmem>>, vector<16xf32>,
        %add3A_1161 = arith.addf %get3A_1147, %get3A_1160 : vector<16xf32>
        %get3A_1162 = arith.constant 1 : i32
        %get3A_1163 = arith.index_cast %get3A_1162 : i32 to index
        %get3A_1164 = arith.constant 0 : index
        %get3A_1165 = tpu.vector_load %arg16[%get3A_1163, %get3A_1164] {strides = array<i32>} : memref<16x17xf32, #tpu.memory_space<vmem>>, vector<16xf32>,
        %add3A_1166 = arith.addf %get3A_1151, %get3A_1165 : vector<16xf32>
        %get3A_1167 = arith.constant 2 : i32
        %get3A_1168 = arith.index_cast %get3A_1167 : i32 to index
        %get3A_1169 = arith.constant 0 : index
        %get3A_1170 = tpu.vector_load %arg14[%get3A_1168, %get3A_1169] {strides = array<i32>} : memref<16x17xf32, #tpu.memory_space<vmem>>, vector<16xf32>,
        %add3A_1171 = arith.addf %add3A_1156, %get3A_1170 : vector<16xf32>
        %get3A_1172 = arith.constant 2 : i32
        %get3A_1173 = arith.index_cast %get3A_1172 : i32 to index
        %get3A_1174 = arith.constant 0 : index
        %get3A_1175 = tpu.vector_load %arg15[%get3A_1173, %get3A_1174] {strides = array<i32>} : memref<16x17xf32, #tpu.memory_space<vmem>>, vector<16xf32>,
        %add3A_1176 = arith.addf %add3A_1161, %get3A_1175 : vector<16xf32>
        %get3A_1177 = arith.constant 2 : i32
        %get3A_1178 = arith.index_cast %get3A_1177 : i32 to index
        %get3A_1179 = arith.constant 0 : index
        %get3A_1180 = tpu.vector_load %arg16[%get3A_1178, %get3A_1179] {strides = array<i32>} : memref<16x17xf32, #tpu.memory_space<vmem>>, vector<16xf32>,
        %add3A_1181 = arith.addf %add3A_1166, %get3A_1180 : vector<16xf32>
        %get3A_1182 = arith.constant 3 : i32
        %get3A_1183 = arith.index_cast %get3A_1182 : i32 to index
        %get3A_1184 = arith.constant 0 : index
        %get3A_1185 = tpu.vector_load %arg14[%get3A_1183, %get3A_1184] {strides = array<i32>} : memref<16x17xf32, #tpu.memory_space<vmem>>, vector<16xf32>,
        %add3A_1186 = arith.addf %add3A_1171, %get3A_1185 : vector<16xf32>
        %get3A_1187 = arith.constant 3 : i32
        %get3A_1188 = arith.index_cast %get3A_1187 : i32 to index
        %get3A_1189 = arith.constant 0 : index
        %get3A_1190 = tpu.vector_load %arg15[%get3A_1188, %get3A_1189] {strides = array<i32>} : memref<16x17xf32, #tpu.memory_space<vmem>>, vector<16xf32>,
        %add3A_1191 = arith.addf %add3A_1176, %get3A_1190 : vector<16xf32>
        %get3A_1192 = arith.constant 3 : i32
        %get3A_1193 = arith.index_cast %get3A_1192 : i32 to index
        %get3A_1194 = arith.constant 0 : index
        %get3A_1195 = tpu.vector_load %arg16[%get3A_1193, %get3A_1194] {strides = array<i32>} : memref<16x17xf32, #tpu.memory_space<vmem>>, vector<16xf32>,
        %add3A_1196 = arith.addf %add3A_1181, %get3A_1195 : vector<16xf32>
        %get3A_1197 = arith.constant 4 : i32
        %get3A_1198 = arith.index_cast %get3A_1197 : i32 to index
        %get3A_1199 = arith.constant 0 : index
        %get3A_1200 = tpu.vector_load %arg14[%get3A_1198, %get3A_1199] {strides = array<i32>} : memref<16x17xf32, #tpu.memory_space<vmem>>, vector<16xf32>,
        %add3A_1201 = arith.addf %add3A_1186, %get3A_1200 : vector<16xf32>
        %get3A_1202 = arith.constant 4 : i32
        %get3A_1203 = arith.index_cast %get3A_1202 : i32 to index
        %get3A_1204 = arith.constant 0 : index
        %get3A_1205 = tpu.vector_load %arg15[%get3A_1203, %get3A_1204] {strides = array<i32>} : memref<16x17xf32, #tpu.memory_space<vmem>>, vector<16xf32>,
        %add3A_1206 = arith.addf %add3A_1191, %get3A_1205 : vector<16xf32>
        %get3A_1207 = arith.constant 4 : i32
        %get3A_1208 = arith.index_cast %get3A_1207 : i32 to index
        %get3A_1209 = arith.constant 0 : index
        %get3A_1210 = tpu.vector_load %arg16[%get3A_1208, %get3A_1209] {strides = array<i32>} : memref<16x17xf32, #tpu.memory_space<vmem>>, vector<16xf32>,
        %add3A_1211 = arith.addf %add3A_1196, %get3A_1210 : vector<16xf32>
        %get3A_1212 = arith.constant 5 : i32
        %get3A_1213 = arith.index_cast %get3A_1212 : i32 to index
        %get3A_1214 = arith.constant 0 : index
        %get3A_1215 = tpu.vector_load %arg14[%get3A_1213, %get3A_1214] {strides = array<i32>} : memref<16x17xf32, #tpu.memory_space<vmem>>, vector<16xf32>,
        %add3A_1216 = arith.addf %add3A_1201, %get3A_1215 : vector<16xf32>
        %get3A_1217 = arith.constant 5 : i32
        %get3A_1218 = arith.index_cast %get3A_1217 : i32 to index
        %get3A_1219 = arith.constant 0 : index
        %get3A_1220 = tpu.vector_load %arg15[%get3A_1218, %get3A_1219] {strides = array<i32>} : memref<16x17xf32, #tpu.memory_space<vmem>>, vector<16xf32>,
        %add3A_1221 = arith.addf %add3A_1206, %get3A_1220 : vector<16xf32>
        %get3A_1222 = arith.constant 5 : i32
        %get3A_1223 = arith.index_cast %get3A_1222 : i32 to index
        %get3A_1224 = arith.constant 0 : index
        %get3A_1225 = tpu.vector_load %arg16[%get3A_1223, %get3A_1224] {strides = array<i32>} : memref<16x17xf32, #tpu.memory_space<vmem>>, vector<16xf32>,
        %add3A_1226 = arith.addf %add3A_1211, %get3A_1225 : vector<16xf32>
        %get3A_1227 = arith.constant 6 : i32
        %get3A_1228 = arith.index_cast %get3A_1227 : i32 to index
        %get3A_1229 = arith.constant 0 : index
        %get3A_1230 = tpu.vector_load %arg14[%get3A_1228, %get3A_1229] {strides = array<i32>} : memref<16x17xf32, #tpu.memory_space<vmem>>, vector<16xf32>,
        %add3A_1231 = arith.addf %add3A_1216, %get3A_1230 : vector<16xf32>
        %get3A_1232 = arith.constant 6 : i32
        %get3A_1233 = arith.index_cast %get3A_1232 : i32 to index
        %get3A_1234 = arith.constant 0 : index
        %get3A_1235 = tpu.vector_load %arg15[%get3A_1233, %get3A_1234] {strides = array<i32>} : memref<16x17xf32, #tpu.memory_space<vmem>>, vector<16xf32>,
        %add3A_1236 = arith.addf %add3A_1221, %get3A_1235 : vector<16xf32>
        %get3A_1237 = arith.constant 6 : i32
        %get3A_1238 = arith.index_cast %get3A_1237 : i32 to index
        %get3A_1239 = arith.constant 0 : index
        %get3A_1240 = tpu.vector_load %arg16[%get3A_1238, %get3A_1239] {strides = array<i32>} : memref<16x17xf32, #tpu.memory_space<vmem>>, vector<16xf32>,
        %add3A_1241 = arith.addf %add3A_1226, %get3A_1240 : vector<16xf32>
        %get3A_1242 = arith.constant 7 : i32
        %get3A_1243 = arith.index_cast %get3A_1242 : i32 to index
        %get3A_1244 = arith.constant 0 : index
        %get3A_1245 = tpu.vector_load %arg14[%get3A_1243, %get3A_1244] {strides = array<i32>} : memref<16x17xf32, #tpu.memory_space<vmem>>, vector<16xf32>,
        %add3A_1246 = arith.addf %add3A_1231, %get3A_1245 : vector<16xf32>
        %get3A_1247 = arith.constant 7 : i32
        %get3A_1248 = arith.index_cast %get3A_1247 : i32 to index
        %get3A_1249 = arith.constant 0 : index
        %get3A_1250 = tpu.vector_load %arg15[%get3A_1248, %get3A_1249] {strides = array<i32>} : memref<16x17xf32, #tpu.memory_space<vmem>>, vector<16xf32>,
        %add3A_1251 = arith.addf %add3A_1236, %get3A_1250 : vector<16xf32>
        %get3A_1252 = arith.constant 7 : i32
        %get3A_1253 = arith.index_cast %get3A_1252 : i32 to index
        %get3A_1254 = arith.constant 0 : index
        %get3A_1255 = tpu.vector_load %arg16[%get3A_1253, %get3A_1254] {strides = array<i32>} : memref<16x17xf32, #tpu.memory_space<vmem>>, vector<16xf32>,
        %add3A_1256 = arith.addf %add3A_1241, %get3A_1255 : vector<16xf32>
        %get3A_1257 = arith.constant 8 : i32
        %get3A_1258 = arith.index_cast %get3A_1257 : i32 to index
        %get3A_1259 = arith.constant 0 : index
        %get3A_1260 = tpu.vector_load %arg14[%get3A_1258, %get3A_1259] {strides = array<i32>} : memref<16x17xf32, #tpu.memory_space<vmem>>, vector<16xf32>,
        %add3A_1261 = arith.addf %add3A_1246, %get3A_1260 : vector<16xf32>
        %get3A_1262 = arith.constant 8 : i32
        %get3A_1263 = arith.index_cast %get3A_1262 : i32 to index
        %get3A_1264 = arith.constant 0 : index
        %get3A_1265 = tpu.vector_load %arg15[%get3A_1263, %get3A_1264] {strides = array<i32>} : memref<16x17xf32, #tpu.memory_space<vmem>>, vector<16xf32>,
        %add3A_1266 = arith.addf %add3A_1251, %get3A_1265 : vector<16xf32>
        %get3A_1267 = arith.constant 8 : i32
        %get3A_1268 = arith.index_cast %get3A_1267 : i32 to index
        %get3A_1269 = arith.constant 0 : index
        %get3A_1270 = tpu.vector_load %arg16[%get3A_1268, %get3A_1269] {strides = array<i32>} : memref<16x17xf32, #tpu.memory_space<vmem>>, vector<16xf32>,
        %add3A_1271 = arith.addf %add3A_1256, %get3A_1270 : vector<16xf32>
        %get3A_1272 = arith.constant 9 : i32
        %get3A_1273 = arith.index_cast %get3A_1272 : i32 to index
        %get3A_1274 = arith.constant 0 : index
        %get3A_1275 = tpu.vector_load %arg14[%get3A_1273, %get3A_1274] {strides = array<i32>} : memref<16x17xf32, #tpu.memory_space<vmem>>, vector<16xf32>,
        %add3A_1276 = arith.addf %add3A_1261, %get3A_1275 : vector<16xf32>
        %get3A_1277 = arith.constant 9 : i32
        %get3A_1278 = arith.index_cast %get3A_1277 : i32 to index
        %get3A_1279 = arith.constant 0 : index
        %get3A_1280 = tpu.vector_load %arg15[%get3A_1278, %get3A_1279] {strides = array<i32>} : memref<16x17xf32, #tpu.memory_space<vmem>>, vector<16xf32>,
        %add3A_1281 = arith.addf %add3A_1266, %get3A_1280 : vector<16xf32>
        %get3A_1282 = arith.constant 9 : i32
        %get3A_1283 = arith.index_cast %get3A_1282 : i32 to index
        %get3A_1284 = arith.constant 0 : index
        %get3A_1285 = tpu.vector_load %arg16[%get3A_1283, %get3A_1284] {strides = array<i32>} : memref<16x17xf32, #tpu.memory_space<vmem>>, vector<16xf32>,
        %add3A_1286 = arith.addf %add3A_1271, %get3A_1285 : vector<16xf32>
        %get3A_1287 = arith.constant 10 : i32
        %get3A_1288 = arith.index_cast %get3A_1287 : i32 to index
        %get3A_1289 = arith.constant 0 : index
        %get3A_1290 = tpu.vector_load %arg14[%get3A_1288, %get3A_1289] {strides = array<i32>} : memref<16x17xf32, #tpu.memory_space<vmem>>, vector<16xf32>,
        %add3A_1291 = arith.addf %add3A_1276, %get3A_1290 : vector<16xf32>
        %get3A_1292 = arith.constant 10 : i32
        %get3A_1293 = arith.index_cast %get3A_1292 : i32 to index
        %get3A_1294 = arith.constant 0 : index
        %get3A_1295 = tpu.vector_load %arg15[%get3A_1293, %get3A_1294] {strides = array<i32>} : memref<16x17xf32, #tpu.memory_space<vmem>>, vector<16xf32>,
        %add3A_1296 = arith.addf %add3A_1281, %get3A_1295 : vector<16xf32>
        %get3A_1297 = arith.constant 10 : i32
        %get3A_1298 = arith.index_cast %get3A_1297 : i32 to index
        %get3A_1299 = arith.constant 0 : index
        %get3A_1300 = tpu.vector_load %arg16[%get3A_1298, %get3A_1299] {strides = array<i32>} : memref<16x17xf32, #tpu.memory_space<vmem>>, vector<16xf32>,
        %add3A_1301 = arith.addf %add3A_1286, %get3A_1300 : vector<16xf32>
        %get3A_1302 = arith.constant 11 : i32
        %get3A_1303 = arith.index_cast %get3A_1302 : i32 to index
        %get3A_1304 = arith.constant 0 : index
        %get3A_1305 = tpu.vector_load %arg14[%get3A_1303, %get3A_1304] {strides = array<i32>} : memref<16x17xf32, #tpu.memory_space<vmem>>, vector<16xf32>,
        %add3A_1306 = arith.addf %add3A_1291, %get3A_1305 : vector<16xf32>
        %get3A_1307 = arith.constant 11 : i32
        %get3A_1308 = arith.index_cast %get3A_1307 : i32 to index
        %get3A_1309 = arith.constant 0 : index
        %get3A_1310 = tpu.vector_load %arg15[%get3A_1308, %get3A_1309] {strides = array<i32>} : memref<16x17xf32, #tpu.memory_space<vmem>>, vector<16xf32>,
        %add3A_1311 = arith.addf %add3A_1296, %get3A_1310 : vector<16xf32>
        %get3A_1312 = arith.constant 11 : i32
        %get3A_1313 = arith.index_cast %get3A_1312 : i32 to index
        %get3A_1314 = arith.constant 0 : index
        %get3A_1315 = tpu.vector_load %arg16[%get3A_1313, %get3A_1314] {strides = array<i32>} : memref<16x17xf32, #tpu.memory_space<vmem>>, vector<16xf32>,
        %add3A_1316 = arith.addf %add3A_1301, %get3A_1315 : vector<16xf32>
        %get3A_1317 = arith.constant 12 : i32
        %get3A_1318 = arith.index_cast %get3A_1317 : i32 to index
        %get3A_1319 = arith.constant 0 : index
        %get3A_1320 = tpu.vector_load %arg14[%get3A_1318, %get3A_1319] {strides = array<i32>} : memref<16x17xf32, #tpu.memory_space<vmem>>, vector<16xf32>,
        %add3A_1321 = arith.addf %add3A_1306, %get3A_1320 : vector<16xf32>
        %get3A_1322 = arith.constant 12 : i32
        %get3A_1323 = arith.index_cast %get3A_1322 : i32 to index
        %get3A_1324 = arith.constant 0 : index
        %get3A_1325 = tpu.vector_load %arg15[%get3A_1323, %get3A_1324] {strides = array<i32>} : memref<16x17xf32, #tpu.memory_space<vmem>>, vector<16xf32>,
        %add3A_1326 = arith.addf %add3A_1311, %get3A_1325 : vector<16xf32>
        %get3A_1327 = arith.constant 12 : i32
        %get3A_1328 = arith.index_cast %get3A_1327 : i32 to index
        %get3A_1329 = arith.constant 0 : index
        %get3A_1330 = tpu.vector_load %arg16[%get3A_1328, %get3A_1329] {strides = array<i32>} : memref<16x17xf32, #tpu.memory_space<vmem>>, vector<16xf32>,
        %add3A_1331 = arith.addf %add3A_1316, %get3A_1330 : vector<16xf32>
        %get3A_1332 = arith.constant 13 : i32
        %get3A_1333 = arith.index_cast %get3A_1332 : i32 to index
        %get3A_1334 = arith.constant 0 : index
        %get3A_1335 = tpu.vector_load %arg14[%get3A_1333, %get3A_1334] {strides = array<i32>} : memref<16x17xf32, #tpu.memory_space<vmem>>, vector<16xf32>,
        %add3A_1336 = arith.addf %add3A_1321, %get3A_1335 : vector<16xf32>
        %get3A_1337 = arith.constant 13 : i32
        %get3A_1338 = arith.index_cast %get3A_1337 : i32 to index
        %get3A_1339 = arith.constant 0 : index
        %get3A_1340 = tpu.vector_load %arg15[%get3A_1338, %get3A_1339] {strides = array<i32>} : memref<16x17xf32, #tpu.memory_space<vmem>>, vector<16xf32>,
        %add3A_1341 = arith.addf %add3A_1326, %get3A_1340 : vector<16xf32>
        %get3A_1342 = arith.constant 13 : i32
        %get3A_1343 = arith.index_cast %get3A_1342 : i32 to index
        %get3A_1344 = arith.constant 0 : index
        %get3A_1345 = tpu.vector_load %arg16[%get3A_1343, %get3A_1344] {strides = array<i32>} : memref<16x17xf32, #tpu.memory_space<vmem>>, vector<16xf32>,
        %add3A_1346 = arith.addf %add3A_1331, %get3A_1345 : vector<16xf32>
        %get3A_1347 = arith.constant 14 : i32
        %get3A_1348 = arith.index_cast %get3A_1347 : i32 to index
        %get3A_1349 = arith.constant 0 : index
        %get3A_1350 = tpu.vector_load %arg14[%get3A_1348, %get3A_1349] {strides = array<i32>} : memref<16x17xf32, #tpu.memory_space<vmem>>, vector<16xf32>,
        %add3A_1351 = arith.addf %add3A_1336, %get3A_1350 : vector<16xf32>
        %get3A_1352 = arith.constant 14 : i32
        %get3A_1353 = arith.index_cast %get3A_1352 : i32 to index
        %get3A_1354 = arith.constant 0 : index
        %get3A_1355 = tpu.vector_load %arg15[%get3A_1353, %get3A_1354] {strides = array<i32>} : memref<16x17xf32, #tpu.memory_space<vmem>>, vector<16xf32>,
        %add3A_1356 = arith.addf %add3A_1341, %get3A_1355 : vector<16xf32>
        %get3A_1357 = arith.constant 14 : i32
        %get3A_1358 = arith.index_cast %get3A_1357 : i32 to index
        %get3A_1359 = arith.constant 0 : index
        %get3A_1360 = tpu.vector_load %arg16[%get3A_1358, %get3A_1359] {strides = array<i32>} : memref<16x17xf32, #tpu.memory_space<vmem>>, vector<16xf32>,
        %add3A_1361 = arith.addf %add3A_1346, %get3A_1360 : vector<16xf32>
        %get3A_1362 = arith.constant 15 : i32
        %get3A_1363 = arith.index_cast %get3A_1362 : i32 to index
        %get3A_1364 = arith.constant 0 : index
        %get3A_1365 = tpu.vector_load %arg14[%get3A_1363, %get3A_1364] {strides = array<i32>} : memref<16x17xf32, #tpu.memory_space<vmem>>, vector<16xf32>,
        %add3A_1366 = arith.addf %add3A_1351, %get3A_1365 : vector<16xf32>
        %get3A_1367 = arith.constant 15 : i32
        %get3A_1368 = arith.index_cast %get3A_1367 : i32 to index
        %get3A_1369 = arith.constant 0 : index
        %get3A_1370 = tpu.vector_load %arg15[%get3A_1368, %get3A_1369] {strides = array<i32>} : memref<16x17xf32, #tpu.memory_space<vmem>>, vector<16xf32>,
        %add3A_1371 = arith.addf %add3A_1356, %get3A_1370 : vector<16xf32>
        %get3A_1372 = arith.constant 15 : i32
        %get3A_1373 = arith.index_cast %get3A_1372 : i32 to index
        %get3A_1374 = arith.constant 0 : index
        %get3A_1375 = tpu.vector_load %arg16[%get3A_1373, %get3A_1374] {strides = array<i32>} : memref<16x17xf32, #tpu.memory_space<vmem>>, vector<16xf32>,
        %add3A_1376 = arith.addf %add3A_1361, %get3A_1375 : vector<16xf32>
        %bitcast_convert_type3A = tpu.bitcast %add3A_1366 : vector<16xf32> -> vector<16xi32>
        %shift_right_logical3A = arith.constant 1 : i32
        %shift_right_logical3A_1377 = vector.broadcast %shift_right_logical3A : i32 to vector<16xi32>
        %shift_right_logical3A_1378 = arith.shrui %bitcast_convert_type3A, %shift_right_logical3A_1377 : vector<16xi32>
        %sub3A = arith.constant 1597463007 : i32
        %sub3A_1379 = vector.broadcast %sub3A : i32 to vector<16xi32>
        %sub3A_1380 = arith.subi %sub3A_1379, %shift_right_logical3A_1378 : vector<16xi32>
        %bitcast_convert_type3A_1381 = tpu.bitcast %sub3A_1380 : vector<16xi32> -> vector<16xf32>
        %mul3A_1382 = arith.constant 5.000000e-01 : f32
        %mul3A_1383 = vector.broadcast %mul3A_1382 : f32 to vector<16xf32>
        %mul3A_1384 = arith.mulf %mul3A_1383, %add3A_1366 : vector<16xf32>
        %mul3A_1385 = arith.mulf %mul3A_1384, %bitcast_convert_type3A_1381 : vector<16xf32>
        %mul3A_1386 = arith.mulf %mul3A_1385, %bitcast_convert_type3A_1381 : vector<16xf32>
        %sub3A_1387 = arith.constant 1.500000e+00 : f32
        %sub3A_1388 = vector.broadcast %sub3A_1387 : f32 to vector<16xf32>
        %sub3A_1389 = arith.subf %sub3A_1388, %mul3A_1386 : vector<16xf32>
        %mul3A_1390 = arith.mulf %bitcast_convert_type3A_1381, %sub3A_1389 : vector<16xf32>
        %mul3A_1391 = arith.mulf %mul3A_1384, %mul3A_1390 : vector<16xf32>
        %mul3A_1392 = arith.mulf %mul3A_1391, %mul3A_1390 : vector<16xf32>
        %sub3A_1393 = arith.constant 1.500000e+00 : f32
        %sub3A_1394 = vector.broadcast %sub3A_1393 : f32 to vector<16xf32>
        %sub3A_1395 = arith.subf %sub3A_1394, %mul3A_1392 : vector<16xf32>
        %mul3A_1396 = arith.mulf %mul3A_1390, %sub3A_1395 : vector<16xf32>
        %mul3A_1397 = arith.mulf %mul3A_1384, %mul3A_1396 : vector<16xf32>
        %mul3A_1398 = arith.mulf %mul3A_1397, %mul3A_1396 : vector<16xf32>
        %sub3A_1399 = arith.constant 1.500000e+00 : f32
        %sub3A_1400 = vector.broadcast %sub3A_1399 : f32 to vector<16xf32>
        %sub3A_1401 = arith.subf %sub3A_1400, %mul3A_1398 : vector<16xf32>
        %mul3A_1402 = arith.mulf %mul3A_1396, %sub3A_1401 : vector<16xf32>
        %mul3A_1403 = arith.mulf %add3A_1366, %mul3A_1402 : vector<16xf32>
        %bitcast_convert_type3A_1404 = tpu.bitcast %add3A_1371 : vector<16xf32> -> vector<16xi32>
        %shift_right_logical3A_1405 = arith.constant 1 : i32
        %shift_right_logical3A_1406 = vector.broadcast %shift_right_logical3A_1405 : i32 to vector<16xi32>
        %shift_right_logical3A_1407 = arith.shrui %bitcast_convert_type3A_1404, %shift_right_logical3A_1406 : vector<16xi32>
        %sub3A_1408 = arith.constant 1597463007 : i32
        %sub3A_1409 = vector.broadcast %sub3A_1408 : i32 to vector<16xi32>
        %sub3A_1410 = arith.subi %sub3A_1409, %shift_right_logical3A_1407 : vector<16xi32>
        %bitcast_convert_type3A_1411 = tpu.bitcast %sub3A_1410 : vector<16xi32> -> vector<16xf32>
        %mul3A_1412 = arith.constant 5.000000e-01 : f32
        %mul3A_1413 = vector.broadcast %mul3A_1412 : f32 to vector<16xf32>
        %mul3A_1414 = arith.mulf %mul3A_1413, %add3A_1371 : vector<16xf32>
        %mul3A_1415 = arith.mulf %mul3A_1414, %bitcast_convert_type3A_1411 : vector<16xf32>
        %mul3A_1416 = arith.mulf %mul3A_1415, %bitcast_convert_type3A_1411 : vector<16xf32>
        %sub3A_1417 = arith.constant 1.500000e+00 : f32
        %sub3A_1418 = vector.broadcast %sub3A_1417 : f32 to vector<16xf32>
        %sub3A_1419 = arith.subf %sub3A_1418, %mul3A_1416 : vector<16xf32>
        %mul3A_1420 = arith.mulf %bitcast_convert_type3A_1411, %sub3A_1419 : vector<16xf32>
        %mul3A_1421 = arith.mulf %mul3A_1414, %mul3A_1420 : vector<16xf32>
        %mul3A_1422 = arith.mulf %mul3A_1421, %mul3A_1420 : vector<16xf32>
        %sub3A_1423 = arith.constant 1.500000e+00 : f32
        %sub3A_1424 = vector.broadcast %sub3A_1423 : f32 to vector<16xf32>
        %sub3A_1425 = arith.subf %sub3A_1424, %mul3A_1422 : vector<16xf32>
        %mul3A_1426 = arith.mulf %mul3A_1420, %sub3A_1425 : vector<16xf32>
        %mul3A_1427 = arith.mulf %mul3A_1414, %mul3A_1426 : vector<16xf32>
        %mul3A_1428 = arith.mulf %mul3A_1427, %mul3A_1426 : vector<16xf32>
        %sub3A_1429 = arith.constant 1.500000e+00 : f32
        %sub3A_1430 = vector.broadcast %sub3A_1429 : f32 to vector<16xf32>
        %sub3A_1431 = arith.subf %sub3A_1430, %mul3A_1428 : vector<16xf32>
        %mul3A_1432 = arith.mulf %mul3A_1426, %sub3A_1431 : vector<16xf32>
        %mul3A_1433 = arith.mulf %add3A_1371, %mul3A_1432 : vector<16xf32>
        %add3A_1434 = vector.broadcast %scan3A_9 : f32 to vector<16xf32>
        %add3A_1435 = arith.addf %mul3A_1403, %add3A_1434 : vector<16xf32>
        %div3A = vector.broadcast %scan3A_10 : f32 to vector<16xf32>
        %div3A_1436 = arith.divf %div3A, %add3A_1435 : vector<16xf32>
        %min3A = vector.broadcast %scan3A_11 : f32 to vector<16xf32>
        %min3A_1437 = arith.minimumf %min3A, %div3A_1436 : vector<16xf32>
        %add3A_1438 = vector.broadcast %scan3A_9 : f32 to vector<16xf32>
        %add3A_1439 = arith.addf %mul3A_1433, %add3A_1438 : vector<16xf32>
        %div3A_1440 = vector.broadcast %scan3A_10 : f32 to vector<16xf32>
        %div3A_1441 = arith.divf %div3A_1440, %add3A_1439 : vector<16xf32>
        %min3A_1442 = vector.broadcast %scan3A_11 : f32 to vector<16xf32>
        %min3A_1443 = arith.minimumf %min3A_1442, %div3A_1441 : vector<16xf32>
        %mul3A_1444 = arith.mulf %min3A_1437, %min3A_1443 : vector<16xf32>
        %mul3A_1445 = arith.mulf %add3A_1376, %mul3A_1444 : vector<16xf32>
        %neg3A = arith.constant 0.000000e+00 : f32
        %neg3A_1446 = vector.broadcast %neg3A : f32 to vector<16xf32>
        %neg3A_1447 = arith.subf %neg3A_1446, %mul3A_1445 : vector<16xf32>
        %exp3A = math.exp %neg3A_1447 : vector<16xf32>
        %add3A_1448 = vector.broadcast %scan3A_11 : f32 to vector<16xf32>
        %add3A_1449 = arith.addf %add3A_1448, %exp3A : vector<16xf32>
        %div3A_1450 = vector.broadcast %scan3A_11 : f32 to vector<16xf32>
        %div3A_1451 = arith.divf %div3A_1450, %add3A_1449 : vector<16xf32>
        %mul3A_1452 = arith.constant 64 : i32
        %mul3A_1453 = arith.muli %scan3A_17, %mul3A_1452 : i32
        %mul3A_1454 = arith.constant 16 : i32
        %mul3A_1455 = arith.muli %scan3A_46, %mul3A_1454 : i32
        %add3A_1456 = arith.addi %mul3A_1453, %mul3A_1455 : i32
        %swap3A = arith.index_cast %add3A_1456 : i32 to index
        %swap3A_1457 = tpu.vector_load %arg13[%swap3A] {strides = array<i32>} : memref<512xf32, #tpu.memory_space<vmem>>, vector<16xf32>,
        tpu.vector_store %arg13[%swap3A], %div3A_1451 {strides = array<i32>} : memref<512xf32, #tpu.memory_space<vmem>>, vector<16xf32>,
      }
      %scan3A_45 = arith.constant 4 : i32
    }
    %scan3A_16 = arith.constant 8 : i32
    "tpu.region"() ({
      %run_scoped3A = tpu.sem_alloc : memref<!tpu.dma_semaphore, #tpu.memory_space<semaphore_mem>>
      %dma_start3A = tpu.memref_slice %arg6[%mul3A_2] : memref<16384xf32, #tpu.memory_space<hbm>> -> memref<512xf32, #tpu.memory_space<hbm>>
      %dma_start3A_17 = tpu.memref_slice %arg6[%mul3A_2] : memref<16384xf32, #tpu.memory_space<hbm>> -> memref<512xf32, #tpu.memory_space<hbm>>
      tpu.enqueue_dma source(%arg13 : memref<512xf32, #tpu.memory_space<vmem>>) target(%dma_start3A_17 : memref<512xf32, #tpu.memory_space<hbm>>) target_semaphore(%run_scoped3A : memref<!tpu.dma_semaphore, #tpu.memory_space<semaphore_mem>>)
      %dma_wait3A = tpu.memref_slice %arg6[%mul3A_2] : memref<16384xf32, #tpu.memory_space<hbm>> -> memref<512xf32, #tpu.memory_space<hbm>>
      %dma_wait3A_18 = tpu.memref_slice %arg6[%mul3A_2] : memref<16384xf32, #tpu.memory_space<hbm>> -> memref<512xf32, #tpu.memory_space<hbm>>
      tpu.wait_dma2 semaphore(%run_scoped3A : memref<!tpu.dma_semaphore, #tpu.memory_space<semaphore_mem>>) src(%arg13 : memref<512xf32, #tpu.memory_space<vmem>>) dst(%dma_wait3A_18 : memref<512xf32, #tpu.memory_space<hbm>>)
      tpu.yield
    }) : () -> ()
    return
  }
}

</mosaic_0001>

<sc_bundles>
// kernel: kernel.3.cloned.1.call-start
scs
__scs_entry_jumppad:
0x0: {  	(pc) =	sbr.rel $0x88, $3  }
0x1: {  	(tag) =	ssettag $0x0;
	lr =	simm.s32 $0x1  }
0x2: {  	[smem:$0x3F9D] =	sst lr;
	_ =	strace $0xD0000000  }
0x3: {  	_ = 	snop  }
0x4: {  	_ = 	snop  }
0x5: {  	_ = 	snop  }
0x6: {  	_ = 	snop  }
0x7: {  	_ = 	snop  }
__scs_overlays_trampoline_lowered:
0x8: {  	[smem:$0x3FAC] =	sst s0  }
0x9: {  	[smem:$0x3FAD] =	sst s1  }
0xa: {  	[smem:$0x3FAE] =	sst s2  }
0xb: {  	[smem:$0x3FAF] =	sst s3  }
0xc: {  	[smem:$0x3FB0] =	sst s4  }
0xd: {  	[smem:$0x3FB1] =	sst s5  }
0xe: {  	[smem:$0x3FB2] =	sst s6  }
0xf: {  	[smem:$0x3FB3] =	sst s7  }
0x10: {  	[smem:$0x3FB4] =	sst s8  }
0x11: {  	[smem:$0x3FB5] =	sst s9;
	s0 =	simm.s32 @!p0 $0x0  }
0x12: {  	s1 =	sld [smem:$0x3F9B];
	s0 =	simm.s32 @p0 $0x1  }
0x13: {  	[smem:$0x3FB6] =	sst s0;
	s0 =	simm.s32 @!p1 $0x0  }
0x14: {  	s2 =	sld [smem:$0x3F9A];
	s0 =	simm.s32 @p1 $0x1  }
0x15: {  	[smem:$0x3FB7] =	sst s0;
	s0 =	simm.s32 @!p2 $0x0  }
0x16: {  	s3 =	sld [smem:$0x3FDB];
	s0 =	simm.s32 @p2 $0x1  }
0x17: {  	s4 =	simm.s32 $0x1BF5;
	[smem:$0x3FB9] =	sst s0  }
0x18: {  	s0 =	sld [smem:$0x3F9C];
	_ =	swait.ge [sflag:s4], $0x0  }
0x19: {  	s7 =	sld [smem:$0x3F9D]  }
0x1a: {  	s8 =	sadd.s32 $0xFFFFE003, lr  }
0x1b: {  	s9 =	sadd.s32 $0xFFFFFEF7, lr;
	s5 =	simm.s32 $0xFFFFFFFF;
	p2 =	slt.u32 s8, $0xFFFFF086  }
0x1c: {  	p1 =	slt.u32 s9, $0xF7A;
	s5 =	simm.s32 @!p2 $0x0  }
0x1d: {  	s5 =	simm.s32 @p1 $0x1;
	p0 =	seq.s32 s7, s2  }
0x1e: {  	s7 =	smul.u32 @!p0 $0xF7A, s2;
	p2 =	seq.s32 @!p0 s5, $0x0  }
0x1f: {  	s9 =	smul.u32 $0xF7A, s1;
	s8 =	simm.s32 @!p0 $0x1BF5;
	p2 =	por !p2, p0  }
0x20: {  	[sflag:s8] =	ssyncset.s32 @!p0 $0xFFFFF086;
	s6 =	sadd.s32 @!p0 s3, s7;
	s7 =	simm.s32 @!p0 $0x108  }
0x21: {  	s3 =	sadd.s32 s3, s9;
	s6 =	sadd.s32 @!p0 $0x88, s6;
	s7 =	simm.s32 @p2 $0x1082  }
0x22: {  	[simem:s7], [sflag:s8] =	dma.local @!p0 [hbm:s6], $0xF7A  }
0x23: {  	s9 =	sor.u32 $0xD0000000, s2;
	s6 =	simm.s32 $0x108;
	_ =	swait.ge @!p0 [sflag:s8], $0x0  }
0x24: {  	s3 =	sadd.s32 $0x88, s3;
	s6 =	simm.s32 @!p1 $0x1082;
	[sflag:s4] =	ssyncset.s32 $0xFFFFF086  }
0x25: {  	[simem:s6], [sflag:s4] =	dma.local [hbm:s3], $0xF7A  }
0x26: {  	[smem:$0x3F9D] =	sst s1;
	(tag) =	ssettag s2;
	_ =	strace s9  }
0x27: {  	s1 =	sld [smem:$0x3FAD]  }
0x28: {  	s2 =	sld [smem:$0x3FAE]  }
0x29: {  	s4 =	sld [smem:$0x3FB0]  }
0x2a: {  	p0 =	seq.s32 s5, $0x0;
	s5 =	sld [smem:$0x3FB1]  }
0x2b: {  	s6 =	sld [smem:$0x3FB2]  }
0x2c: {  	s7 =	sld [smem:$0x3FB3]  }
0x2d: {  	s3 =	simm.s32 $0x108;
	s8 =	sld [smem:$0x3FB4]  }
0x2e: {  	s3 =	simm.s32 @!p0 $0x1082;
	s9 =	sld [smem:$0x3FB5]  }
0x2f: {  	lr =	sadd.s32 s0, s3;
	s0 =	sld [smem:$0x3FAC]  }
0x30: {  	s3 =	sld [smem:$0x3FAF]  }
0x31: {  	[smem:$0x3FB8] =	sst s10  }
0x32: {  	s10 =	sld [smem:$0x3FB6];
	_ =	sdelay $0x3  }
0x33: {  	p0 =	seq.s32 s10, $0x1;
	s10 =	sld [smem:$0x3FB8];
	_ =	sdelay $0x3  }
0x34: {  	[smem:$0x3FB8] =	sst s10  }
0x35: {  	s10 =	sld [smem:$0x3FB7];
	_ =	sdelay $0x3  }
0x36: {  	p1 =	seq.s32 s10, $0x1;
	s10 =	sld [smem:$0x3FB8];
	_ =	sdelay $0x3  }
0x37: {  	[smem:$0x3FB8] =	sst s10  }
0x38: {  	s10 =	sld [smem:$0x3FB9]  }
0x39: {  	_ = 	snop;
	(pc) =	sbr.ind lr, $3  }
0x3a: {  	_ = 	snop  }
0x3b: {  	_ = 	snop  }
0x3c: {  	p2 =	seq.s32 s10, $0x1;
	s10 =	sld [smem:$0x3FB8]  }
0x3d: {  	_ =	shalt  }
0x3e: {  	_ =	shalt  }
0x3f: {  	_ =	shalt  }
0x40: {  	_ =	shalt  }
0x41: {  	_ =	shalt  }
0x42: {  	_ =	shalt  }
0x43: {  	_ =	shalt  }
0x44: {  	_ =	shalt  }
0x45: {  	_ =	shalt  }
0x46: {  	_ =	shalt  }
0x47: {  	_ =	shalt  }
0x48: {  	_ =	shalt  }
0x49: {  	_ =	shalt  }
0x4a: {  	_ =	shalt  }
0x4b: {  	_ =	shalt  }
0x4c: {  	_ =	shalt  }
0x4d: {  	_ =	shalt  }
0x4e: {  	_ =	shalt  }
0x4f: {  	_ =	shalt  }
0x50: {  	_ =	shalt  }
0x51: {  	_ =	shalt  }
0x52: {  	_ =	shalt  }
0x53: {  	_ =	shalt  }
0x54: {  	_ =	shalt  }
0x55: {  	_ =	shalt  }
0x56: {  	_ =	shalt  }
0x57: {  	_ =	shalt  }
0x58: {  	_ =	shalt  }
0x59: {  	_ =	shalt  }
0x5a: {  	_ =	shalt  }
0x5b: {  	_ =	shalt  }
0x5c: {  	_ =	shalt  }
0x5d: {  	_ =	shalt  }
0x5e: {  	_ =	shalt  }
0x5f: {  	_ =	shalt  }
0x60: {  	_ =	shalt  }
0x61: {  	_ =	shalt  }
0x62: {  	_ =	shalt  }
0x63: {  	_ =	shalt  }
0x64: {  	_ =	shalt  }
0x65: {  	_ =	shalt  }
0x66: {  	_ =	shalt  }
0x67: {  	_ =	shalt  }
0x68: {  	_ =	shalt  }
0x69: {  	_ =	shalt  }
0x6a: {  	_ =	shalt  }
0x6b: {  	_ =	shalt  }
0x6c: {  	_ =	shalt  }
0x6d: {  	_ =	shalt  }
0x6e: {  	_ =	shalt  }
0x6f: {  	_ =	shalt  }
0x70: {  	_ =	shalt  }
0x71: {  	_ =	shalt  }
0x72: {  	_ =	shalt  }
0x73: {  	_ =	shalt  }
0x74: {  	_ =	shalt  }
0x75: {  	_ =	shalt  }
0x76: {  	_ =	shalt  }
0x77: {  	_ =	shalt  }
0x78: {  	_ =	shalt  }
0x79: {  	_ =	shalt  }
0x7a: {  	_ =	shalt  }
0x7b: {  	_ =	shalt  }
0x7c: {  	_ =	shalt  }
0x7d: {  	_ =	shalt  }
0x7e: {  	_ =	shalt  }
0x7f: {  	_ =	shalt  }
0x80: {  	_ =	shalt  }
0x81: {  	_ =	shalt  }
0x82: {  	_ =	shalt  }
0x83: {  	_ =	shalt  }
0x84: {  	_ =	shalt  }
0x85: {  	_ =	shalt  }
0x86: {  	_ =	shalt  }
0x87: {  	_ =	shalt  }
.Lfunc_end0:
.L_simem_size_0:
called_computation_lowered:
.L_overlay_start_0:
0x88: {  	s2 =	sld [smem:$0x3FD9]  }
0x89: {  	s3 =	sld [smem:$0x3FFE];
	_ =	sdelay $0x1  }
0x8a: {  	s1 =	srdreg.scid  }
0x8b: {  	s0 =	sand.u32 $0x1, s1  }
0x8c: {  	s17 =	sshll.u32 s0, $0xA;
	s2 =	sadd.s32 s3, s2  }
0x8d: {  	s2 =	sadd.s32 s2, s17  }
0x8e: {  	[smem:$0x3FC4] =	sst s2  }
0x8f: {  	_ = 	snop  }
0x90: {  	s2 =	sld [smem:$0x3FC9]  }
0x91: {  	s18 =	sld [smem:$0x3FC8]  }
0x92: {  	s4 =	sld [smem:$0x3FD0];
	(tm) =	ssettm $0x1  }
0x93: {  	s5 =	sld [smem:$0x3FFB];
	_ =	sdelay $0x3  }
0x94: {  	_ =	strace s5  }
0x95: {  	s5 =	sld [smem:$0x3FFC];
	_ =	sdelay $0x3  }
0x96: {  	_ =	strace s5  }
0x97: {  	s5 =	sld [smem:$0x3FFD];
	_ =	sdelay $0x3  }
0x98: {  	_ =	strace s5  }
0x99: {  	_ =	strace $0x8FFFFFFF  }
0x9a: {  	s19 =	sld [smem:$0x3FDB];
	_ =	sdelay $0x1  }
0x9b: {  	s6 =	simm.s32 $_scs_section_size  }
0x9c: {  	s7 =	simm.s32 $_size__tile_overlayer_lowered;
	s8 =	simm.s32 $_tile_overlayer_lowered  }
0x9d: {  	s22 =	simm.s32 $0x1BFF;
	s21 =	sshll.u32 s8, $0x1;
	s5 =	sadd.s32 s6, s19  }
0x9e: {  	s9 =	simm.s32 $0x0;
	s20 =	sshll.u32 s7, $0x1;
	s7 =	sadd.s32 s21, s5  }
0x9f: {  	[timem:s9], [sflag:s22] =	dma.local [hbm:s7], s20  }
0xa0: {  	_ =	swait.ge [sflag:s22], s20  }
0xa1: {  	s6 =	ssub.s32 $0x0, s20;
	[sflag:s22] =	ssyncset.done $0x0  }
0xa2: {  	[sflag:s22] =	ssyncadd.s32 s6;
	_ =	sdelay $0x1  }
0xa3: {  	s23 =	simm.s32 $0x1B8B  }
0xa4: {  	_ =	swait.ge [sflag:s23], $0x1  }
0xa5: {  	[sflag:s23] =	ssyncset.done $0x0  }
0xa6: {  	s25 =	simm.s32 $0x1B8E;
	s24 =	sld [smem:$0x3FFE];
	[sflag:s23] =	ssyncadd.s32 $0xFFFFFFFF  }
0xa7: {  	s26 =	simm.s32 $execute0_lowered;
	[smem:$0x3FD2] =	sst s25  }
0xa8: {  	s7 =	sshll.u32 s26, $0x1;
	_ =	strace $0x80000046;
	[dreg:$0x1] =	wrdreg $0xFFFFFFFF  }
0xa9: {  	s28 =	simm.s32 $_size_execute0_lowered;
	s5 =	sadd.s32 s5, s7;
	[dreg:$0x0] =	wrdreg $0x0  }
0xaa: {  	s7 =	sshll.u32 s28, $0x1;
	[dreg:$0x2] =	wrdreg s5  }
0xab: {  	[dreg:$0x3] =	wrdreg s7  }
0xac: {  	[dreg:$0x4] =	wrdreg $0xC0  }
0xad: {  	_ =	task [dreg:s9], $0x5FFFF  }
0xae: {  	[dreg:$0x1] =	wrdreg $0xFFFFFFFF  }
0xaf: {  	[dreg:$0x0] =	wrdreg $0x60  }
0xb0: {  	[dreg:$0x2] =	wrdreg s2  }
0xb1: {  	[dreg:$0x3] =	wrdreg s18  }
0xb2: {  	[dreg:$0x4] =	wrdreg s24  }
0xb3: {  	[dreg:$0x5] =	wrdreg s4  }
0xb4: {  	[dreg:$0x6] =	wrdreg $0x9  }
0xb5: {  	_ =	task.clear_ibuf [dreg:s9], $0x7FFFF;
	_ =	strace $0x90000046  }
0xb6: {  	s29 =	simm.s32 $0x9;
	_ =	strace $0x80000048  }
0xb7: {  	_ =	swait.ge [sflag:s29], $0x1  }
0xb8: {  	[sflag:s29] =	ssyncadd.s32 $0xFFFFFFFF  }
0xb9: {  	_ =	strace $0x90000048  }
0xba: {  	_ =	sfence  }
0xbb: {  	s30 =	sld [smem:$0x0];
	_ =	sdelay $0x2  }
0xbc: {  	s31 =	sshll.u32 s1, $0xD;
	s1 =	sshrl.u32 s1, $0x2  }
0xbd: {  	s3 =	sand.u32 $0x4000, s31;
	s1 =	sadd.s32 s1, s30  }
0xbe: {  	s0 =	sor.u32 s3, s0;
	s1 =	sshll.u32 s1, $0x11  }
0xbf: {  	s0 =	sor.u32 s1, s0  }
0xc0: {  	s0 =	sadd.s32 $0x8F2B, s0  }
0xc1: {  	[sflag:s0] =	ssyncadd.remote.s32 $0x1  }
0xc2: {  	_ =	sfence.sel $0xFFFF  }
0xc3: {  	[dreg:$0x0] =	wrdreg $0xFFFFFFFF;
	(pc) =	sbr.abs _section_cstart, $3  }
0xc4: {  	[dreg:$0x1] =	wrdreg $0xFFFFFFFF  }
0xc5: {  	_ =	task.clear_ibuf [dreg:s9], $0x2FFFF;
	_ =	strace $0x9FFFFFFF  }
0xc6: {  	(tm) =	ssettm $0x7FFFFFFF  }
0xc7: {  	_ =	shalt  }
tec
execute0_lowered:
.L_overlay_start_1:
0x0: {  	(tag) =	ssettag $0x1  }
0x1: {  	s5 =	rddreg [dreg:$0x0]  }
0x2: {  	s6 =	rddreg [dreg:$0x1]  }
0x3: {  	s4 =	rddreg [dreg:$0x2]  }
0x4: {  	s7 =	rddreg [dreg:$0x3]  }
0x5: {  	s0 =	rddreg [dreg:$0x4];
	s1 =	simm.s32 $0x0;
	s2 =	srdreg.scid  }
0x6: {  	s12 =	simm.s32 $0x2C00;
	s13 =	simm.s32 $0x1;
	s14 =	simm.s32 $0x2  }
0x7: {  	v0 =	vlaneseq.u32;
	s15 =	simm.s32 $0x4E00;
	s16 =	simm.s32 $0x5600;
	s17 =	simm.s32 $0x5E00  }
0x8: {  	s18 =	simm.s32 $0x4C00;
	s19 =	simm.s32 $0x0;
	[smem:$0x7FF] =	sst s1;
	v0 =	vmul.u32 $0x80, v0  }
0x9: {  	s8 =	sand.u32 $0x1, s2;
	s3 =	sadd.s32 $0xF42A00, s4;
	s2 =	stileid.u32  }
0xa: {  	s4 =	sadd.s32 $0x187000, s4;
	_ =	strace $0x80000047;
	s9 =	ssub.s32 $0x2, s8;
	v1 =	vor.u32 $0x1, v0;
	v2 =	vor.u32 $0x2, v0;
	v3 =	vor.u32 $0x3, v0  }
0xb: {  	s11 =	sshll.u32 s2, $0x7;
	s8 =	sshll.u32 s8, $0x6;
	s10 =	sshrl.u32 s9, $0x1;
	v4 =	vor.u32 $0x4, v0;
	v5 =	vor.u32 $0x5, v0;
	v6 =	vor.u32 $0x6, v0  }
0xc: {  	s8 =	sor.u32 s8, s11;
	s11 =	simm.s32 $0xC00;
	v7 =	vor.u32 $0x7, v0;
	v8 =	vor.u32 $0x8, v0;
	v9 =	vor.u32 $0x9, v0;
	s9 =	ssub.s32 s9, s10  }
0xd: {  	v10 =	vor.u32 $0xA, v0;
	v11 =	vor.u32 $0xB, v0;
	v12 =	vor.u32 $0xC, v0;
	s5 =	sadd.s32 s5, s8;
	s6 =	sadd.s32 s6, s8;
	s7 =	sadd.s32 s7, s8  }
0xe: {  	v13 =	vor.u32 $0xD, v0;
	v14 =	vor.u32 $0xE, v0;
	v15 =	vor.u32 $0xF, v0;
	s10 =	simm.s32 $0x40;
	s8 =	smax.u32 s9, $0x1;
	s9 =	simm.s32 $0x3  }
.LBB2_1:
0xf: {  	[tilespmem:s1], [sflag:$0x3] =	stream.linear.gather [hbm4b:s5+s1], $0x200, $0x38;
	[tilespmem:$0x6600] =	vst v63  }
0x10: {  	_ =	swait.ge [sflag:s9], $0x200  }
0x11: {  	[sflag:s9] =	ssyncset.done $0x0  }
0x12: {  	s20 =	simm.s32 $0x200;
	[sflag:s9] =	ssyncadd.s32 $0xFFFFFE00  }
0x13: {  	[tilespmem:s20], [sflag:$0x3] =	stream.linear.gather [hbm4b:s6+s1], $0x200, $0x38;
	[tilespmem:$0x6600] =	vst v63  }
0x14: {  	_ =	swait.ge [sflag:s9], $0x200  }
0x15: {  	[sflag:s9] =	ssyncset.done $0x0  }
0x16: {  	[sflag:s9] =	ssyncadd.s32 $0xFFFFFE00  }
0x17: {  	v16 =	vld [tilespmem:s1+$0x0];
	_ =	sdelay $0x3  }
0x18: {  	s21 =	sand.u32 $0x30, s1;
	s22 =	sand.u32 $0x380, s1  }
0x19: {  	s22 =	sor.u32 s21, s22;
	v16 =	vshrl.u32 v16, $0x1  }
0x1a: {  	[tilespmem:s22+$0x400] =	vst v16  }
0x1b: {  	v16 =	vld [tilespmem:s20+$0x0];
	_ =	sdelay $0x4  }
0x1c: {  	v16 =	vshrl.u32 v16, $0x1  }
0x1d: {  	s23 =	simm.s32 $0x10;
	s25 =	simm.s32 $0x40;
	[tilespmem:s22+$0x800] =	vst v16  }
0x1e: {  	s24 =	simm.s32 $0x0;
	s21 =	simm.s32 $0x20;
	s22 =	simm.s32 $0x200;
	v16 =	vld [tilespmem:s23+$0x0]  }
.LBB2_2:
0x1f: {  	p0 =	sne.s32 s25, $0x3E0;
	_ =	sdelay $0x1  }
0x20: {  	s24 =	sadd.s32 $0x10, s24  }
0x21: {  	s28 =	sand.u32 $0x380, s21;
	s21 =	smov.u32 s25;
	s26 =	sand.u32 $0x30, s24  }
0x22: {  	s26 =	sor.u32 s26, s28;
	v16 =	vshrl.u32 v16, $0x1  }
0x23: {  	s22 =	sadd.s32 $0x10, s22;
	[tilespmem:s26+$0x400] =	vst v16  }
0x24: {  	v16 =	vld [tilespmem:s22+$0x0];
	_ =	sdelay $0x2  }
.Ltmp0:
0x25: {  	(pc) =	sbr.rel @p0 .LBB2_2-.Ltmp0, $4  }
0x26: {  	_ = 	snop  }
0x27: {  	v16 =	vshrl.u32 v16, $0x1  }
0x28: {  	s23 =	sadd.s32 $0x10, s23;
	[tilespmem:s26+$0x800] =	vst v16  }
0x29: {  	s25 =	sadd.s32 $0x20, s25;
	v16 =	vld [tilespmem:s23+$0x0]  }
0x2a: {  	_ =	sdelay $0x1  }
0x2b: {  	s23 =	sadd.s32 $0x10, s24  }
0x2c: {  	s21 =	sand.u32 $0x380, s21;
	s23 =	sand.u32 $0x30, s23  }
0x2d: {  	s21 =	sor.u32 s23, s21;
	v16 =	vshrl.u32 v16, $0x1  }
0x2e: {  	s22 =	sadd.s32 $0x10, s22;
	[tilespmem:s21+$0x400] =	vst v16  }
0x2f: {  	v16 =	vld [tilespmem:s22+$0x0];
	_ =	sdelay $0x4  }
0x30: {  	v16 =	vshrl.u32 v16, $0x1  }
0x31: {  	s23 =	simm.s32 $0x0;
	s22 =	simm.s32 $0x4C00;
	[tilespmem:s21+$0x800] =	vst v16;
	s21 =	simm.s32 $0x0  }
.LBB2_4:
0x32: {  	s24 =	sshll.u32 s23, $0x7  }
0x33: {  	s25 =	sadd.s32 $0x400, s24  }
0x34: {  	[tilespmem:s11], [sflag:$0x1] =	stream.indirect.gather [hbm4b:s3+s10], $0x80, s25, s10, $0xb8;
	[tilespmem:$0x6600] =	vst v63  }
0x35: {  	s24 =	sadd.s32 $0x800, s24  }
0x36: {  	[tilespmem:s12], [sflag:$0x2] =	stream.indirect.gather [hbm4b:s4+s10], $0x80, s24, s10, $0xb8;
	[tilespmem:$0x6600] =	vst v63  }
0x37: {  	_ =	swait.ge [sflag:s13], $0x2000  }
0x38: {  	[sflag:s13] =	ssyncset.done $0x0  }
0x39: {  	[sflag:s13] =	ssyncadd.s32 $0xFFFFE000  }
0x3a: {  	_ =	swait.ge [sflag:s14], $0x2000  }
0x3b: {  	s26 =	smov.u32 s21;
	s28 =	simm.s32 $0x0;
	[sflag:s14] =	ssyncset.done $0x0  }
0x3c: {  	s25 =	smov.u32 s20;
	s24 =	smov.u32 s22;
	[sflag:s14] =	ssyncadd.s32 $0xFFFFE000  }
.LBB2_5:
0x3d: {  	v16 =	vld [tilespmem:s26+$0x0];
	_ =	sdelay $0x3  }
0x3e: {  	v18 =	vld [tilespmem:s25+$0x0]  }
0x3f: {  	v16 =	vshll.u32 v16, $0x6  }
0x40: {  	s29 =	sshra.s32 s28, $0x2;
	v16 =	vand.u32 $0x40, v16  }
0x41: {  	v17 =	vadd.s32 s29, v16  }
0x42: {  	(v2sf) =	vpush v17, $0x1  }
0x43: {  	v16 =	vshll.u32 v18, $0x6;
	(v2sf) =	vpush v17, $0x0  }
0x44: {  	v16 =	vand.u32 $0x40, v16  }
0x45: {  	v16 =	vadd.s32 s29, v16  }
0x46: {  	(v2sf) =	vpush v16, $0x1  }
0x47: {  	(v2sf) =	vpush v16, $0x0;
	_ =	sdelay $0x9  }
0x48: {  	s29 =	spop (v2sf)  }
0x49: {  	s30 =	spop (v2sf)  }
0x4a: {  	v60 =	vld [tilespmem:s30+$0xC00]  }
0x4b: {  	v19 =	vld [tilespmem:s30+$0xC10]  }
0x4c: {  	v20 =	vld [tilespmem:s30+$0xC20];
	s31 =	spop (v2sf)  }
0x4d: {  	v21 =	vld [tilespmem:s30+$0xC30];
	s30 =	spop (v2sf)  }
0x4e: {  	v22 =	vld [tilespmem:s30+$0x2C00]  }
0x4f: {  	v23 =	vld [tilespmem:s30+$0x2C10]  }
0x50: {  	v24 =	vld [tilespmem:s30+$0x2C20]  }
0x51: {  	v25 =	vld [tilespmem:s30+$0x2C30]  }
0x52: {  	v26 =	vmul.f32 v60, v60;
	v27 =	vmul.f32 v19, v19  }
0x53: {  	v28 =	vmul.f32 v20, v20;
	v29 =	vmul.f32 v21, v21  }
0x54: {  	v26 =	vadd.f32 v27, v26;
	v61 =	vmul.f32 v22, v22;
	v30 =	vmul.f32 v23, v23  }
0x55: {  	v28 =	vadd.f32 v29, v28;
	v62 =	vmul.f32 v24, v24;
	v18 =	vmul.f32 v22, v60  }
0x56: {  	v63 =	vmul.f32 v25, v25;
	v19 =	vmul.f32 v23, v19  }
0x57: {  	v20 =	vmul.f32 v24, v20;
	v21 =	vmul.f32 v25, v21;
	v28 =	vadd.f32 v28, v26  }
0x58: {  	v31 =	vadd.f32 v30, v61;
	v22 =	vadd.f32 v63, v62  }
0x59: {  	v18 =	vadd.f32 v19, v18;
	v32 =	vadd.f32 v21, v20  }
0x5a: {  	v33 =	vadd.f32 v22, v31  }
0x5b: {  	v18 =	vadd.f32 v32, v18;
	[tilespmem:v0+s15+$0x0] =	vst.idx.msk $0xffff, v28  }
0x5c: {  	[tilespmem:v0+s16+$0x0] =	vst.idx.msk $0xffff, v33  }
0x5d: {  	[tilespmem:v0+s17+$0x0] =	vst.idx.msk $0xffff, v18  }
0x5e: {  	v18 =	vld [tilespmem:s29+$0xC80]  }
0x5f: {  	v34 =	vld [tilespmem:s29+$0xC90]  }
0x60: {  	v20 =	vld [tilespmem:s29+$0xCA0]  }
0x61: {  	v35 =	vld [tilespmem:s29+$0xCB0]  }
0x62: {  	(v2sf) =	vpush v17, $0x3;
	v36 =	vld [tilespmem:s31+$0x2C80]  }
0x63: {  	(v2sf) =	vpush v17, $0x2;
	v23 =	vld [tilespmem:s31+$0x2C90]  }
0x64: {  	v37 =	vld [tilespmem:s31+$0x2CA0]  }
0x65: {  	v38 =	vld [tilespmem:s31+$0x2CB0]  }
0x66: {  	(v2sf) =	vpush v16, $0x3;
	v39 =	vmul.f32 v18, v18  }
0x67: {  	(v2sf) =	vpush v16, $0x2;
	v40 =	vmul.f32 v34, v34;
	v41 =	vmul.f32 v20, v20  }
0x68: {  	v42 =	vmul.f32 v35, v35;
	v43 =	vmul.f32 v36, v36  }
0x69: {  	v44 =	vmul.f32 v23, v23;
	v45 =	vmul.f32 v37, v37  }
0x6a: {  	v18 =	vmul.f32 v36, v18;
	v46 =	vmul.f32 v38, v38  }
0x6b: {  	v19 =	vmul.f32 v23, v34;
	v20 =	vmul.f32 v37, v20;
	v26 =	vadd.f32 v40, v39  }
0x6c: {  	v21 =	vmul.f32 v38, v35;
	v28 =	vadd.f32 v42, v41;
	v48 =	vadd.f32 v44, v43  }
0x6d: {  	v22 =	vadd.f32 v46, v45;
	v18 =	vadd.f32 v19, v18  }
0x6e: {  	v49 =	vadd.f32 v21, v20;
	v47 =	vadd.f32 v28, v26  }
0x6f: {  	v50 =	vadd.f32 v22, v48  }
0x70: {  	v18 =	vadd.f32 v49, v18;
	[tilespmem:v1+s15+$0x0] =	vst.idx.msk $0xffff, v47  }
0x71: {  	s29 =	spop (v2sf);
	[tilespmem:v1+s16+$0x0] =	vst.idx.msk $0xffff, v50  }
0x72: {  	s30 =	spop (v2sf);
	[tilespmem:v1+s17+$0x0] =	vst.idx.msk $0xffff, v18  }
0x73: {  	v18 =	vld [tilespmem:s30+$0xD00]  }
0x74: {  	v51 =	vld [tilespmem:s30+$0xD10]  }
0x75: {  	s31 =	spop (v2sf);
	v20 =	vld [tilespmem:s30+$0xD20]  }
0x76: {  	v52 =	vld [tilespmem:s30+$0xD30];
	s30 =	spop (v2sf)  }
0x77: {  	v53 =	vld [tilespmem:s30+$0x2D00]  }
0x78: {  	v23 =	vld [tilespmem:s30+$0x2D10]  }
0x79: {  	v54 =	vld [tilespmem:s30+$0x2D20]  }
0x7a: {  	v55 =	vld [tilespmem:s30+$0x2D30]  }
0x7b: {  	v56 =	vmul.f32 v18, v18  }
0x7c: {  	v57 =	vmul.f32 v51, v51;
	v58 =	vmul.f32 v20, v20  }
0x7d: {  	v59 =	vmul.f32 v52, v52;
	v60 =	vmul.f32 v53, v53  }
0x7e: {  	v61 =	vmul.f32 v23, v23;
	v62 =	vmul.f32 v54, v54  }
0x7f: {  	v18 =	vmul.f32 v53, v18;
	v63 =	vmul.f32 v55, v55  }
0x80: {  	v19 =	vmul.f32 v23, v51;
	v20 =	vmul.f32 v54, v20;
	v26 =	vadd.f32 v57, v56  }
0x81: {  	v21 =	vmul.f32 v55, v52;
	v28 =	vadd.f32 v59, v58;
	v31 =	vadd.f32 v61, v60  }
0x82: {  	v22 =	vadd.f32 v63, v62;
	v18 =	vadd.f32 v19, v18  }
0x83: {  	v32 =	vadd.f32 v21, v20;
	v28 =	vadd.f32 v28, v26  }
0x84: {  	v33 =	vadd.f32 v22, v31  }
0x85: {  	v18 =	vadd.f32 v32, v18;
	[tilespmem:v2+s15+$0x0] =	vst.idx.msk $0xffff, v28  }
0x86: {  	[tilespmem:v2+s16+$0x0] =	vst.idx.msk $0xffff, v33  }
0x87: {  	[tilespmem:v2+s17+$0x0] =	vst.idx.msk $0xffff, v18  }
0x88: {  	v18 =	vld [tilespmem:s29+$0xD80]  }
0x89: {  	v34 =	vld [tilespmem:s29+$0xD90]  }
0x8a: {  	v20 =	vld [tilespmem:s29+$0xDA0]  }
0x8b: {  	v35 =	vld [tilespmem:s29+$0xDB0]  }
0x8c: {  	(v2sf) =	vpush v17, $0x5;
	v36 =	vld [tilespmem:s31+$0x2D80]  }
0x8d: {  	(v2sf) =	vpush v17, $0x4;
	v23 =	vld [tilespmem:s31+$0x2D90]  }
0x8e: {  	v37 =	vld [tilespmem:s31+$0x2DA0]  }
0x8f: {  	v38 =	vld [tilespmem:s31+$0x2DB0]  }
0x90: {  	(v2sf) =	vpush v16, $0x5;
	v39 =	vmul.f32 v18, v18  }
0x91: {  	(v2sf) =	vpush v16, $0x4;
	v40 =	vmul.f32 v34, v34;
	v41 =	vmul.f32 v20, v20  }
0x92: {  	v42 =	vmul.f32 v35, v35;
	v43 =	vmul.f32 v36, v36  }
0x93: {  	v44 =	vmul.f32 v23, v23;
	v45 =	vmul.f32 v37, v37  }
0x94: {  	v18 =	vmul.f32 v36, v18;
	v46 =	vmul.f32 v38, v38  }
0x95: {  	v19 =	vmul.f32 v23, v34;
	v20 =	vmul.f32 v37, v20;
	v26 =	vadd.f32 v40, v39  }
0x96: {  	v21 =	vmul.f32 v38, v35;
	v28 =	vadd.f32 v42, v41;
	v48 =	vadd.f32 v44, v43  }
0x97: {  	v22 =	vadd.f32 v46, v45;
	v18 =	vadd.f32 v19, v18  }
0x98: {  	v49 =	vadd.f32 v21, v20;
	v47 =	vadd.f32 v28, v26  }
0x99: {  	v50 =	vadd.f32 v22, v48  }
0x9a: {  	v18 =	vadd.f32 v49, v18;
	[tilespmem:v3+s15+$0x0] =	vst.idx.msk $0xffff, v47  }
0x9b: {  	s29 =	spop (v2sf);
	[tilespmem:v3+s16+$0x0] =	vst.idx.msk $0xffff, v50  }
0x9c: {  	s30 =	spop (v2sf);
	[tilespmem:v3+s17+$0x0] =	vst.idx.msk $0xffff, v18  }
0x9d: {  	v18 =	vld [tilespmem:s30+$0xE00]  }
0x9e: {  	v51 =	vld [tilespmem:s30+$0xE10]  }
0x9f: {  	s31 =	spop (v2sf);
	v20 =	vld [tilespmem:s30+$0xE20]  }
0xa0: {  	v52 =	vld [tilespmem:s30+$0xE30];
	s30 =	spop (v2sf)  }
0xa1: {  	v53 =	vld [tilespmem:s30+$0x2E00]  }
0xa2: {  	v23 =	vld [tilespmem:s30+$0x2E10]  }
0xa3: {  	v54 =	vld [tilespmem:s30+$0x2E20]  }
0xa4: {  	v55 =	vld [tilespmem:s30+$0x2E30]  }
0xa5: {  	v56 =	vmul.f32 v18, v18  }
0xa6: {  	v57 =	vmul.f32 v51, v51;
	v58 =	vmul.f32 v20, v20  }
0xa7: {  	v59 =	vmul.f32 v52, v52;
	v60 =	vmul.f32 v53, v53  }
0xa8: {  	v61 =	vmul.f32 v23, v23;
	v62 =	vmul.f32 v54, v54  }
0xa9: {  	v18 =	vmul.f32 v53, v18;
	v63 =	vmul.f32 v55, v55  }
0xaa: {  	v19 =	vmul.f32 v23, v51;
	v20 =	vmul.f32 v54, v20;
	v26 =	vadd.f32 v57, v56  }
0xab: {  	v21 =	vmul.f32 v55, v52;
	v28 =	vadd.f32 v59, v58;
	v31 =	vadd.f32 v61, v60  }
0xac: {  	v22 =	vadd.f32 v63, v62;
	v18 =	vadd.f32 v19, v18  }
0xad: {  	v32 =	vadd.f32 v21, v20;
	v28 =	vadd.f32 v28, v26  }
0xae: {  	v33 =	vadd.f32 v22, v31  }
0xaf: {  	v18 =	vadd.f32 v32, v18;
	[tilespmem:v4+s15+$0x0] =	vst.idx.msk $0xffff, v28  }
0xb0: {  	[tilespmem:v4+s16+$0x0] =	vst.idx.msk $0xffff, v33  }
0xb1: {  	[tilespmem:v4+s17+$0x0] =	vst.idx.msk $0xffff, v18  }
0xb2: {  	v18 =	vld [tilespmem:s29+$0xE80]  }
0xb3: {  	v34 =	vld [tilespmem:s29+$0xE90]  }
0xb4: {  	v20 =	vld [tilespmem:s29+$0xEA0]  }
0xb5: {  	v35 =	vld [tilespmem:s29+$0xEB0]  }
0xb6: {  	(v2sf) =	vpush v17, $0x7;
	v36 =	vld [tilespmem:s31+$0x2E80]  }
0xb7: {  	(v2sf) =	vpush v17, $0x6;
	v23 =	vld [tilespmem:s31+$0x2E90]  }
0xb8: {  	v37 =	vld [tilespmem:s31+$0x2EA0]  }
0xb9: {  	v38 =	vld [tilespmem:s31+$0x2EB0]  }
0xba: {  	(v2sf) =	vpush v16, $0x7;
	v39 =	vmul.f32 v18, v18  }
0xbb: {  	(v2sf) =	vpush v16, $0x6;
	v40 =	vmul.f32 v34, v34;
	v41 =	vmul.f32 v20, v20  }
0xbc: {  	v42 =	vmul.f32 v35, v35;
	v43 =	vmul.f32 v36, v36  }
0xbd: {  	v44 =	vmul.f32 v23, v23;
	v45 =	vmul.f32 v37, v37  }
0xbe: {  	v18 =	vmul.f32 v36, v18;
	v46 =	vmul.f32 v38, v38  }
0xbf: {  	v19 =	vmul.f32 v23, v34;
	v20 =	vmul.f32 v37, v20;
	v26 =	vadd.f32 v40, v39  }
0xc0: {  	v21 =	vmul.f32 v38, v35;
	v28 =	vadd.f32 v42, v41;
	v48 =	vadd.f32 v44, v43  }
0xc1: {  	v22 =	vadd.f32 v46, v45;
	v18 =	vadd.f32 v19, v18  }
0xc2: {  	v49 =	vadd.f32 v21, v20;
	v47 =	vadd.f32 v28, v26  }
0xc3: {  	v50 =	vadd.f32 v22, v48  }
0xc4: {  	v18 =	vadd.f32 v49, v18;
	[tilespmem:v5+s15+$0x0] =	vst.idx.msk $0xffff, v47  }
0xc5: {  	s29 =	spop (v2sf);
	[tilespmem:v5+s16+$0x0] =	vst.idx.msk $0xffff, v50  }
0xc6: {  	s30 =	spop (v2sf);
	[tilespmem:v5+s17+$0x0] =	vst.idx.msk $0xffff, v18  }
0xc7: {  	v18 =	vld [tilespmem:s30+$0xF00]  }
0xc8: {  	v51 =	vld [tilespmem:s30+$0xF10]  }
0xc9: {  	s31 =	spop (v2sf);
	v20 =	vld [tilespmem:s30+$0xF20]  }
0xca: {  	v52 =	vld [tilespmem:s30+$0xF30];
	s30 =	spop (v2sf)  }
0xcb: {  	v53 =	vld [tilespmem:s30+$0x2F00]  }
0xcc: {  	v23 =	vld [tilespmem:s30+$0x2F10]  }
0xcd: {  	v54 =	vld [tilespmem:s30+$0x2F20]  }
0xce: {  	v55 =	vld [tilespmem:s30+$0x2F30]  }
0xcf: {  	v56 =	vmul.f32 v18, v18  }
0xd0: {  	v57 =	vmul.f32 v51, v51;
	v58 =	vmul.f32 v20, v20  }
0xd1: {  	v59 =	vmul.f32 v52, v52;
	v60 =	vmul.f32 v53, v53  }
0xd2: {  	v61 =	vmul.f32 v23, v23;
	v62 =	vmul.f32 v54, v54  }
0xd3: {  	v18 =	vmul.f32 v53, v18;
	v63 =	vmul.f32 v55, v55  }
0xd4: {  	v19 =	vmul.f32 v23, v51;
	v20 =	vmul.f32 v54, v20;
	v26 =	vadd.f32 v57, v56  }
0xd5: {  	v21 =	vmul.f32 v55, v52;
	v28 =	vadd.f32 v59, v58;
	v31 =	vadd.f32 v61, v60  }
0xd6: {  	v22 =	vadd.f32 v63, v62;
	v18 =	vadd.f32 v19, v18  }
0xd7: {  	v32 =	vadd.f32 v21, v20;
	v28 =	vadd.f32 v28, v26  }
0xd8: {  	v33 =	vadd.f32 v22, v31  }
0xd9: {  	v18 =	vadd.f32 v32, v18;
	[tilespmem:v6+s15+$0x0] =	vst.idx.msk $0xffff, v28  }
0xda: {  	[tilespmem:v6+s16+$0x0] =	vst.idx.msk $0xffff, v33  }
0xdb: {  	[tilespmem:v6+s17+$0x0] =	vst.idx.msk $0xffff, v18  }
0xdc: {  	v18 =	vld [tilespmem:s29+$0xF80]  }
0xdd: {  	v34 =	vld [tilespmem:s29+$0xF90]  }
0xde: {  	v20 =	vld [tilespmem:s29+$0xFA0]  }
0xdf: {  	v35 =	vld [tilespmem:s29+$0xFB0]  }
0xe0: {  	(v2sf) =	vpush v17, $0x9;
	v36 =	vld [tilespmem:s31+$0x2F80]  }
0xe1: {  	(v2sf) =	vpush v17, $0x8;
	v23 =	vld [tilespmem:s31+$0x2F90]  }
0xe2: {  	v37 =	vld [tilespmem:s31+$0x2FA0]  }
0xe3: {  	v38 =	vld [tilespmem:s31+$0x2FB0]  }
0xe4: {  	(v2sf) =	vpush v16, $0x9;
	v39 =	vmul.f32 v18, v18  }
0xe5: {  	(v2sf) =	vpush v16, $0x8;
	v40 =	vmul.f32 v34, v34;
	v41 =	vmul.f32 v20, v20  }
0xe6: {  	v42 =	vmul.f32 v35, v35;
	v43 =	vmul.f32 v36, v36  }
0xe7: {  	v44 =	vmul.f32 v23, v23;
	v45 =	vmul.f32 v37, v37  }
0xe8: {  	v18 =	vmul.f32 v36, v18;
	v46 =	vmul.f32 v38, v38  }
0xe9: {  	v19 =	vmul.f32 v23, v34;
	v20 =	vmul.f32 v37, v20;
	v26 =	vadd.f32 v40, v39  }
0xea: {  	v21 =	vmul.f32 v38, v35;
	v28 =	vadd.f32 v42, v41;
	v48 =	vadd.f32 v44, v43  }
0xeb: {  	v22 =	vadd.f32 v46, v45;
	v18 =	vadd.f32 v19, v18  }
0xec: {  	v49 =	vadd.f32 v21, v20;
	v47 =	vadd.f32 v28, v26  }
0xed: {  	v50 =	vadd.f32 v22, v48  }
0xee: {  	v18 =	vadd.f32 v49, v18;
	[tilespmem:v7+s15+$0x0] =	vst.idx.msk $0xffff, v47  }
0xef: {  	s29 =	spop (v2sf);
	[tilespmem:v7+s16+$0x0] =	vst.idx.msk $0xffff, v50  }
0xf0: {  	s30 =	spop (v2sf);
	[tilespmem:v7+s17+$0x0] =	vst.idx.msk $0xffff, v18  }
0xf1: {  	v18 =	vld [tilespmem:s30+$0x1000]  }
0xf2: {  	v51 =	vld [tilespmem:s30+$0x1010]  }
0xf3: {  	s31 =	spop (v2sf);
	v20 =	vld [tilespmem:s30+$0x1020]  }
0xf4: {  	v52 =	vld [tilespmem:s30+$0x1030];
	s30 =	spop (v2sf)  }
0xf5: {  	v53 =	vld [tilespmem:s30+$0x3000]  }
0xf6: {  	v23 =	vld [tilespmem:s30+$0x3010]  }
0xf7: {  	v54 =	vld [tilespmem:s30+$0x3020]  }
0xf8: {  	v55 =	vld [tilespmem:s30+$0x3030]  }
0xf9: {  	v56 =	vmul.f32 v18, v18  }
0xfa: {  	v57 =	vmul.f32 v51, v51;
	v58 =	vmul.f32 v20, v20  }
0xfb: {  	v59 =	vmul.f32 v52, v52;
	v60 =	vmul.f32 v53, v53  }
0xfc: {  	v61 =	vmul.f32 v23, v23;
	v62 =	vmul.f32 v54, v54  }
0xfd: {  	v18 =	vmul.f32 v53, v18;
	v63 =	vmul.f32 v55, v55  }
0xfe: {  	v19 =	vmul.f32 v23, v51;
	v20 =	vmul.f32 v54, v20;
	v26 =	vadd.f32 v57, v56  }
0xff: {  	v21 =	vmul.f32 v55, v52;
	v28 =	vadd.f32 v59, v58;
	v32 =	vadd.f32 v61, v60  }
0x100: {  	v22 =	vadd.f32 v63, v62;
	v18 =	vadd.f32 v19, v18  }
0x101: {  	v33 =	vadd.f32 v21, v20;
	v31 =	vadd.f32 v28, v26  }
0x102: {  	v34 =	vadd.f32 v22, v32  }
0x103: {  	v18 =	vadd.f32 v33, v18;
	[tilespmem:v8+s15+$0x0] =	vst.idx.msk $0xffff, v31  }
0x104: {  	[tilespmem:v8+s16+$0x0] =	vst.idx.msk $0xffff, v34  }
0x105: {  	[tilespmem:v8+s17+$0x0] =	vst.idx.msk $0xffff, v18  }
0x106: {  	v18 =	vld [tilespmem:s29+$0x1080]  }
0x107: {  	v35 =	vld [tilespmem:s29+$0x1090]  }
0x108: {  	v20 =	vld [tilespmem:s29+$0x10A0]  }
0x109: {  	v36 =	vld [tilespmem:s29+$0x10B0]  }
0x10a: {  	(v2sf) =	vpush v17, $0xB;
	v37 =	vld [tilespmem:s31+$0x3080]  }
0x10b: {  	(v2sf) =	vpush v17, $0xA;
	v23 =	vld [tilespmem:s31+$0x3090]  }
0x10c: {  	v38 =	vld [tilespmem:s31+$0x30A0]  }
0x10d: {  	v39 =	vld [tilespmem:s31+$0x30B0]  }
0x10e: {  	(v2sf) =	vpush v16, $0xB;
	v40 =	vmul.f32 v18, v18  }
0x10f: {  	(v2sf) =	vpush v16, $0xA;
	v41 =	vmul.f32 v35, v35;
	v42 =	vmul.f32 v20, v20  }
0x110: {  	v43 =	vmul.f32 v36, v36;
	v44 =	vmul.f32 v37, v37  }
0x111: {  	v45 =	vmul.f32 v23, v23;
	v46 =	vmul.f32 v38, v38  }
0x112: {  	v18 =	vmul.f32 v37, v18;
	v47 =	vmul.f32 v39, v39  }
0x113: {  	v19 =	vmul.f32 v23, v35;
	v20 =	vmul.f32 v38, v20;
	v26 =	vadd.f32 v41, v40  }
0x114: {  	v21 =	vmul.f32 v39, v36;
	v28 =	vadd.f32 v43, v42;
	v49 =	vadd.f32 v45, v44  }
0x115: {  	v22 =	vadd.f32 v47, v46;
	v18 =	vadd.f32 v19, v18  }
0x116: {  	v50 =	vadd.f32 v21, v20;
	v48 =	vadd.f32 v28, v26  }
0x117: {  	v51 =	vadd.f32 v22, v49  }
0x118: {  	v18 =	vadd.f32 v50, v18;
	[tilespmem:v9+s15+$0x0] =	vst.idx.msk $0xffff, v48  }
0x119: {  	s29 =	spop (v2sf);
	[tilespmem:v9+s16+$0x0] =	vst.idx.msk $0xffff, v51  }
0x11a: {  	s30 =	spop (v2sf);
	[tilespmem:v9+s17+$0x0] =	vst.idx.msk $0xffff, v18  }
0x11b: {  	v18 =	vld [tilespmem:s30+$0x1100]  }
0x11c: {  	v52 =	vld [tilespmem:s30+$0x1110]  }
0x11d: {  	s31 =	spop (v2sf);
	v20 =	vld [tilespmem:s30+$0x1120]  }
0x11e: {  	v53 =	vld [tilespmem:s30+$0x1130];
	s30 =	spop (v2sf)  }
0x11f: {  	v54 =	vld [tilespmem:s30+$0x3100]  }
0x120: {  	v23 =	vld [tilespmem:s30+$0x3110]  }
0x121: {  	v55 =	vld [tilespmem:s30+$0x3120]  }
0x122: {  	v56 =	vld [tilespmem:s30+$0x3130]  }
0x123: {  	v57 =	vmul.f32 v18, v18  }
0x124: {  	v58 =	vmul.f32 v52, v52;
	v59 =	vmul.f32 v20, v20  }
0x125: {  	v60 =	vmul.f32 v53, v53;
	v61 =	vmul.f32 v54, v54  }
0x126: {  	v62 =	vmul.f32 v23, v23;
	v63 =	vmul.f32 v55, v55  }
0x127: {  	v18 =	vmul.f32 v54, v18;
	v31 =	vmul.f32 v56, v56  }
0x128: {  	v19 =	vmul.f32 v23, v52;
	v20 =	vmul.f32 v55, v20;
	v26 =	vadd.f32 v58, v57  }
0x129: {  	v21 =	vmul.f32 v56, v53;
	v28 =	vadd.f32 v60, v59;
	v33 =	vadd.f32 v62, v61  }
0x12a: {  	v22 =	vadd.f32 v31, v63;
	v18 =	vadd.f32 v19, v18  }
0x12b: {  	v34 =	vadd.f32 v21, v20;
	v32 =	vadd.f32 v28, v26  }
0x12c: {  	v35 =	vadd.f32 v22, v33  }
0x12d: {  	v18 =	vadd.f32 v34, v18;
	[tilespmem:v10+s15+$0x0] =	vst.idx.msk $0xffff, v32  }
0x12e: {  	[tilespmem:v10+s16+$0x0] =	vst.idx.msk $0xffff, v35  }
0x12f: {  	[tilespmem:v10+s17+$0x0] =	vst.idx.msk $0xffff, v18  }
0x130: {  	v18 =	vld [tilespmem:s29+$0x1180]  }
0x131: {  	v36 =	vld [tilespmem:s29+$0x1190]  }
0x132: {  	v20 =	vld [tilespmem:s29+$0x11A0]  }
0x133: {  	v37 =	vld [tilespmem:s29+$0x11B0]  }
0x134: {  	(v2sf) =	vpush v17, $0xD;
	v38 =	vld [tilespmem:s31+$0x3180]  }
0x135: {  	(v2sf) =	vpush v17, $0xC;
	v23 =	vld [tilespmem:s31+$0x3190]  }
0x136: {  	v39 =	vld [tilespmem:s31+$0x31A0]  }
0x137: {  	v40 =	vld [tilespmem:s31+$0x31B0]  }
0x138: {  	(v2sf) =	vpush v16, $0xD;
	v41 =	vmul.f32 v18, v18  }
0x139: {  	(v2sf) =	vpush v16, $0xC;
	v42 =	vmul.f32 v36, v36;
	v43 =	vmul.f32 v20, v20  }
0x13a: {  	v44 =	vmul.f32 v37, v37;
	v45 =	vmul.f32 v38, v38  }
0x13b: {  	v46 =	vmul.f32 v23, v23;
	v47 =	vmul.f32 v39, v39  }
0x13c: {  	v18 =	vmul.f32 v38, v18;
	v48 =	vmul.f32 v40, v40  }
0x13d: {  	v19 =	vmul.f32 v23, v36;
	v20 =	vmul.f32 v39, v20;
	v26 =	vadd.f32 v42, v41  }
0x13e: {  	v21 =	vmul.f32 v40, v37;
	v28 =	vadd.f32 v44, v43;
	v50 =	vadd.f32 v46, v45  }
0x13f: {  	v22 =	vadd.f32 v48, v47;
	v18 =	vadd.f32 v19, v18  }
0x140: {  	v51 =	vadd.f32 v21, v20;
	v49 =	vadd.f32 v28, v26  }
0x141: {  	v52 =	vadd.f32 v22, v50  }
0x142: {  	v18 =	vadd.f32 v51, v18;
	[tilespmem:v11+s15+$0x0] =	vst.idx.msk $0xffff, v49  }
0x143: {  	s29 =	spop (v2sf);
	[tilespmem:v11+s16+$0x0] =	vst.idx.msk $0xffff, v52  }
0x144: {  	s30 =	spop (v2sf);
	[tilespmem:v11+s17+$0x0] =	vst.idx.msk $0xffff, v18  }
0x145: {  	v18 =	vld [tilespmem:s30+$0x1200]  }
0x146: {  	v53 =	vld [tilespmem:s30+$0x1210]  }
0x147: {  	s31 =	spop (v2sf);
	v20 =	vld [tilespmem:s30+$0x1220]  }
0x148: {  	v54 =	vld [tilespmem:s30+$0x1230];
	s30 =	spop (v2sf)  }
0x149: {  	v55 =	vld [tilespmem:s30+$0x3200]  }
0x14a: {  	v23 =	vld [tilespmem:s30+$0x3210]  }
0x14b: {  	v56 =	vld [tilespmem:s30+$0x3220]  }
0x14c: {  	v57 =	vld [tilespmem:s30+$0x3230];
	v58 =	vmul.f32 v18, v18  }
0x14d: {  	v59 =	vmul.f32 v53, v53;
	v60 =	vmul.f32 v20, v20  }
0x14e: {  	v61 =	vmul.f32 v54, v54;
	v62 =	vmul.f32 v55, v55  }
0x14f: {  	v63 =	vmul.f32 v23, v23;
	v18 =	vmul.f32 v55, v18  }
0x150: {  	v29 =	vmul.f32 v56, v56;
	v19 =	vmul.f32 v23, v53  }
0x151: {  	v31 =	vmul.f32 v57, v57;
	v20 =	vmul.f32 v56, v20;
	v26 =	vadd.f32 v59, v58  }
0x152: {  	v21 =	vmul.f32 v57, v54;
	v28 =	vadd.f32 v61, v60;
	v32 =	vadd.f32 v63, v62  }
0x153: {  	v22 =	vadd.f32 v31, v29;
	v18 =	vadd.f32 v19, v18  }
0x154: {  	v33 =	vadd.f32 v21, v20;
	v26 =	vadd.f32 v28, v26  }
0x155: {  	v34 =	vadd.f32 v22, v32  }
0x156: {  	v18 =	vadd.f32 v33, v18;
	[tilespmem:v12+s15+$0x0] =	vst.idx.msk $0xffff, v26  }
0x157: {  	[tilespmem:v12+s16+$0x0] =	vst.idx.msk $0xffff, v34  }
0x158: {  	[tilespmem:v12+s17+$0x0] =	vst.idx.msk $0xffff, v18  }
0x159: {  	v18 =	vld [tilespmem:s29+$0x1280]  }
0x15a: {  	v35 =	vld [tilespmem:s29+$0x1290]  }
0x15b: {  	v20 =	vld [tilespmem:s29+$0x12A0]  }
0x15c: {  	v36 =	vld [tilespmem:s29+$0x12B0]  }
0x15d: {  	(v2sf) =	vpush v17, $0xF;
	v37 =	vld [tilespmem:s31+$0x3280]  }
0x15e: {  	(v2sf) =	vpush v17, $0xE;
	v38 =	vld [tilespmem:s31+$0x3290]  }
0x15f: {  	v17 =	vld [tilespmem:s31+$0x32A0]  }
0x160: {  	v39 =	vld [tilespmem:s31+$0x32B0]  }
0x161: {  	(v2sf) =	vpush v16, $0xF;
	v40 =	vmul.f32 v18, v18  }
0x162: {  	(v2sf) =	vpush v16, $0xE;
	v41 =	vmul.f32 v35, v35;
	v16 =	vmul.f32 v20, v20  }
0x163: {  	v42 =	vmul.f32 v36, v36;
	v43 =	vmul.f32 v37, v37  }
0x164: {  	v44 =	vmul.f32 v38, v38;
	v45 =	vmul.f32 v17, v17  }
0x165: {  	v46 =	vmul.f32 v39, v39;
	v18 =	vmul.f32 v37, v18  }
0x166: {  	v19 =	vmul.f32 v38, v35;
	v17 =	vmul.f32 v17, v20;
	v25 =	vadd.f32 v41, v40  }
0x167: {  	v47 =	vmul.f32 v39, v36;
	v16 =	vadd.f32 v42, v16;
	v48 =	vadd.f32 v44, v43  }
0x168: {  	v49 =	vadd.f32 v46, v45;
	v18 =	vadd.f32 v19, v18  }
0x169: {  	v17 =	vadd.f32 v47, v17;
	v16 =	vadd.f32 v16, v25  }
0x16a: {  	v50 =	vadd.f32 v49, v48  }
0x16b: {  	v17 =	vadd.f32 v17, v18;
	[tilespmem:v13+s15+$0x0] =	vst.idx.msk $0xffff, v16  }
0x16c: {  	s29 =	spop (v2sf);
	[tilespmem:v13+s16+$0x0] =	vst.idx.msk $0xffff, v50  }
0x16d: {  	s30 =	spop (v2sf);
	[tilespmem:v13+s17+$0x0] =	vst.idx.msk $0xffff, v17  }
0x16e: {  	v16 =	vld [tilespmem:s30+$0x1300]  }
0x16f: {  	v17 =	vld [tilespmem:s30+$0x1310]  }
0x170: {  	s31 =	spop (v2sf);
	v51 =	vld [tilespmem:s30+$0x1320]  }
0x171: {  	v19 =	vld [tilespmem:s30+$0x1330];
	s30 =	spop (v2sf)  }
0x172: {  	v52 =	vld [tilespmem:s30+$0x3300]  }
0x173: {  	v53 =	vld [tilespmem:s30+$0x3310]  }
0x174: {  	v54 =	vld [tilespmem:s30+$0x3320]  }
0x175: {  	v55 =	vld [tilespmem:s30+$0x3330]  }
0x176: {  	v56 =	vmul.f32 v16, v16  }
0x177: {  	v57 =	vmul.f32 v17, v17;
	v58 =	vmul.f32 v51, v51  }
0x178: {  	v59 =	vmul.f32 v19, v19;
	v60 =	vmul.f32 v52, v52  }
0x179: {  	v61 =	vmul.f32 v53, v53;
	v62 =	vmul.f32 v54, v54  }
0x17a: {  	v63 =	vmul.f32 v55, v55;
	v16 =	vmul.f32 v52, v16  }
0x17b: {  	v17 =	vmul.f32 v53, v17;
	v18 =	vmul.f32 v54, v51;
	v24 =	vadd.f32 v57, v56  }
0x17c: {  	v19 =	vmul.f32 v55, v19;
	v26 =	vadd.f32 v59, v58;
	v30 =	vadd.f32 v61, v60  }
0x17d: {  	v31 =	vadd.f32 v63, v62;
	v16 =	vadd.f32 v17, v16  }
0x17e: {  	v17 =	vadd.f32 v19, v18;
	v26 =	vadd.f32 v26, v24  }
0x17f: {  	v32 =	vadd.f32 v31, v30  }
0x180: {  	v16 =	vadd.f32 v17, v16;
	[tilespmem:v14+s15+$0x0] =	vst.idx.msk $0xffff, v26  }
0x181: {  	[tilespmem:v14+s16+$0x0] =	vst.idx.msk $0xffff, v32  }
0x182: {  	[tilespmem:v14+s17+$0x0] =	vst.idx.msk $0xffff, v16  }
0x183: {  	v16 =	vld [tilespmem:s29+$0x1380]  }
0x184: {  	v17 =	vld [tilespmem:s29+$0x1390]  }
0x185: {  	v18 =	vld [tilespmem:s29+$0x13A0]  }
0x186: {  	v33 =	vld [tilespmem:s29+$0x13B0]  }
0x187: {  	v20 =	vld [tilespmem:s31+$0x3380]  }
0x188: {  	v34 =	vld [tilespmem:s31+$0x3390]  }
0x189: {  	v35 =	vld [tilespmem:s31+$0x33A0]  }
0x18a: {  	v36 =	vld [tilespmem:s31+$0x33B0]  }
0x18b: {  	v37 =	vmul.f32 v16, v16  }
0x18c: {  	v38 =	vmul.f32 v17, v17;
	v39 =	vmul.f32 v18, v18  }
0x18d: {  	v40 =	vmul.f32 v33, v33;
	v41 =	vmul.f32 v20, v20  }
0x18e: {  	v42 =	vmul.f32 v34, v34;
	v43 =	vmul.f32 v35, v35  }
0x18f: {  	v44 =	vmul.f32 v36, v36;
	v16 =	vmul.f32 v20, v16  }
0x190: {  	v17 =	vmul.f32 v34, v17;
	v18 =	vmul.f32 v35, v18;
	v24 =	vadd.f32 v38, v37  }
0x191: {  	v19 =	vmul.f32 v36, v33;
	v26 =	vadd.f32 v40, v39;
	v46 =	vadd.f32 v42, v41  }
0x192: {  	v47 =	vadd.f32 v44, v43;
	v16 =	vadd.f32 v17, v16  }
0x193: {  	v17 =	vadd.f32 v19, v18;
	v45 =	vadd.f32 v26, v24  }
0x194: {  	v48 =	vadd.f32 v47, v46  }
0x195: {  	v16 =	vadd.f32 v17, v16;
	[tilespmem:v15+s15+$0x0] =	vst.idx.msk $0xffff, v45  }
0x196: {  	[tilespmem:v15+s16+$0x0] =	vst.idx.msk $0xffff, v48  }
0x197: {  	[tilespmem:v15+s17+$0x0] =	vst.idx.msk $0xffff, v16  }
0x198: {  	v16 =	vld [tilespmem:$0x4E00]  }
0x199: {  	v17 =	vld [tilespmem:$0x5600]  }
0x19a: {  	v18 =	vld [tilespmem:$0x4E80]  }
0x19b: {  	v49 =	vld [tilespmem:$0x5680]  }
0x19c: {  	v20 =	vld [tilespmem:$0x4F00]  }
0x19d: {  	v50 =	vld [tilespmem:$0x5700]  }
0x19e: {  	v51 =	vld [tilespmem:$0x4F80]  }
0x19f: {  	v52 =	vld [tilespmem:$0x5780];
	v16 =	vadd.f32 v18, v16  }
0x1a0: {  	v53 =	vld [tilespmem:$0x5000];
	v17 =	vadd.f32 v49, v17  }
0x1a1: {  	v54 =	vld [tilespmem:$0x5800];
	v16 =	vadd.f32 v20, v16  }
0x1a2: {  	v55 =	vld [tilespmem:$0x5080];
	v17 =	vadd.f32 v50, v17  }
0x1a3: {  	v56 =	vld [tilespmem:$0x5880];
	v16 =	vadd.f32 v51, v16  }
0x1a4: {  	v57 =	vld [tilespmem:$0x5100];
	v17 =	vadd.f32 v52, v17  }
0x1a5: {  	v58 =	vld [tilespmem:$0x5900];
	v16 =	vadd.f32 v53, v16  }
0x1a6: {  	v59 =	vld [tilespmem:$0x5180];
	v17 =	vadd.f32 v54, v17  }
0x1a7: {  	v60 =	vld [tilespmem:$0x5980];
	v16 =	vadd.f32 v55, v16  }
0x1a8: {  	v61 =	vld [tilespmem:$0x5200];
	v17 =	vadd.f32 v56, v17  }
0x1a9: {  	v62 =	vld [tilespmem:$0x5A00];
	v16 =	vadd.f32 v57, v16  }
0x1aa: {  	v63 =	vld [tilespmem:$0x5280];
	v17 =	vadd.f32 v58, v17  }
0x1ab: {  	v24 =	vld [tilespmem:$0x5A80];
	v16 =	vadd.f32 v59, v16  }
0x1ac: {  	v25 =	vld [tilespmem:$0x5300];
	v17 =	vadd.f32 v60, v17  }
0x1ad: {  	v26 =	vld [tilespmem:$0x5B00];
	v16 =	vadd.f32 v61, v16  }
0x1ae: {  	v27 =	vld [tilespmem:$0x5380];
	v17 =	vadd.f32 v62, v17  }
0x1af: {  	v28 =	vld [tilespmem:$0x5B80];
	v16 =	vadd.f32 v63, v16  }
0x1b0: {  	v29 =	vld [tilespmem:$0x5400];
	v17 =	vadd.f32 v24, v17  }
0x1b1: {  	v30 =	vld [tilespmem:$0x5C00];
	v16 =	vadd.f32 v25, v16  }
0x1b2: {  	v31 =	vld [tilespmem:$0x5480];
	v17 =	vadd.f32 v26, v17  }
0x1b3: {  	v32 =	vld [tilespmem:$0x5C80];
	v16 =	vadd.f32 v27, v16  }
0x1b4: {  	v33 =	vld [tilespmem:$0x5500];
	v17 =	vadd.f32 v28, v17  }
0x1b5: {  	v34 =	vld [tilespmem:$0x5D00];
	v16 =	vadd.f32 v29, v16  }
0x1b6: {  	v35 =	vld [tilespmem:$0x5580];
	v17 =	vadd.f32 v30, v17  }
0x1b7: {  	v36 =	vld [tilespmem:$0x5D80];
	v16 =	vadd.f32 v31, v16  }
0x1b8: {  	v17 =	vadd.f32 v32, v17  }
0x1b9: {  	v16 =	vadd.f32 v33, v16  }
0x1ba: {  	v17 =	vadd.f32 v34, v17  }
0x1bb: {  	v16 =	vadd.f32 v35, v16  }
0x1bc: {  	v17 =	vadd.f32 v36, v17  }
0x1bd: {  	v37 =	vshrl.u32 v16, $0x1;
	v38 =	vmul.f32 $5.000000000e-01, v16  }
0x1be: {  	v39 =	vshrl.u32 v17, $0x1;
	v40 =	vmul.f32 $5.000000000e-01, v17;
	v18 =	vsub.s32 $0x5F3759DF, v37  }
0x1bf: {  	v20 =	vsub.s32 $0x5F3759DF, v39;
	v41 =	vmul.f32 v18, v38  }
0x1c0: {  	v42 =	vmul.f32 v20, v40  }
0x1c1: {  	v22 =	vmul.f32 v18, v41  }
0x1c2: {  	v23 =	vmul.f32 v20, v42  }
0x1c3: {  	v22 =	vsub.f32 $1.500000000e+00, v22  }
0x1c4: {  	v23 =	vsub.f32 $1.500000000e+00, v23  }
0x1c5: {  	v18 =	vmul.f32 v18, v22  }
0x1c6: {  	v20 =	vmul.f32 v20, v23  }
0x1c7: {  	v43 =	vld [tilespmem:$0x5E00];
	v44 =	vmul.f32 v18, v38  }
0x1c8: {  	v45 =	vld [tilespmem:$0x5E80];
	v46 =	vmul.f32 v20, v40  }
0x1c9: {  	v23 =	vmul.f32 v44, v18  }
0x1ca: {  	v47 =	vld [tilespmem:$0x5F00];
	v25 =	vmul.f32 v46, v20  }
0x1cb: {  	v23 =	vsub.f32 $1.500000000e+00, v23  }
0x1cc: {  	v48 =	vld [tilespmem:$0x5F80];
	v25 =	vsub.f32 $1.500000000e+00, v25  }
0x1cd: {  	v22 =	vadd.f32 v45, v43;
	v18 =	vmul.f32 v23, v18  }
0x1ce: {  	v49 =	vld [tilespmem:$0x6000];
	v20 =	vmul.f32 v25, v20  }
0x1cf: {  	v22 =	vadd.f32 v47, v22;
	v19 =	vmul.f32 v18, v38  }
0x1d0: {  	v50 =	vld [tilespmem:$0x6080];
	v21 =	vmul.f32 v20, v40  }
0x1d1: {  	v22 =	vadd.f32 v48, v22;
	v19 =	vmul.f32 v19, v18  }
0x1d2: {  	v51 =	vld [tilespmem:$0x6100];
	v21 =	vmul.f32 v21, v20  }
0x1d3: {  	v22 =	vadd.f32 v49, v22;
	v19 =	vsub.f32 $1.500000000e+00, v19  }
0x1d4: {  	v52 =	vld [tilespmem:$0x6180];
	v21 =	vsub.f32 $1.500000000e+00, v21  }
0x1d5: {  	v22 =	vadd.f32 v50, v22;
	v18 =	vmul.f32 v19, v18  }
0x1d6: {  	v53 =	vld [tilespmem:$0x6200];
	v20 =	vmul.f32 v21, v20  }
0x1d7: {  	v54 =	vadd.f32 v51, v22;
	v16 =	vmul.f32 v18, v16  }
0x1d8: {  	v55 =	vld [tilespmem:$0x6280];
	v17 =	vmul.f32 v20, v17  }
0x1d9: {  	v56 =	vadd.f32 v52, v54;
	v16 =	vadd.f32 $1.000000010e-07, v16  }
0x1da: {  	v57 =	vld [tilespmem:$0x6300];
	v17 =	vadd.f32 $1.000000010e-07, v17  }
0x1db: {  	v19 =	vadd.f32 v53, v56;
	(erf) = vrcp.f32 v16  }
0x1dc: {  	v16 =	vld [tilespmem:$0x6380];
	(erf) = vrcp.f32 v17  }
0x1dd: {  	v17 =	vadd.f32 v55, v19  }
0x1de: {  	v58 =	vld [tilespmem:$0x6400]  }
0x1df: {  	v17 =	vadd.f32 v57, v17  }
0x1e0: {  	v59 =	vld [tilespmem:$0x6480]  }
0x1e1: {  	v16 =	vadd.f32 v16, v17  }
0x1e2: {  	v17 =	vld [tilespmem:$0x6500]  }
0x1e3: {  	v16 =	vadd.f32 v58, v16  }
0x1e4: {  	v61 =	vld [tilespmem:$0x6580];
	v60 =	vpop (erf)  }
0x1e5: {  	v16 =	vadd.f32 v59, v16;
	v62 =	vpop (erf)  }
0x1e6: {  	v18 =	vmul.f32 $6.400000100e+00, v60;
	v19 =	vmul.f32 $6.400000100e+00, v62  }
0x1e7: {  	v16 =	vadd.f32 v17, v16  }
0x1e8: {  	v17 =	vmin.f32 v18, $1.000000000e+00;
	v63 =	vmin.f32 v19, $1.000000000e+00  }
0x1e9: {  	v16 =	vadd.f32 v61, v16;
	v17 =	vmul.f32 v63, v17;
	_ =	sdelay $0x1  }
0x1ea: {  	v16 =	vmul.f32 v17, v16;
	_ =	sdelay $0x1  }
0x1eb: {  	v16 =	vsub.f32 $0.0e+00, v16;
	_ =	sdelay $0x1  }
0x1ec: {  	v16 =	vmul.f32 $1.442695020e+00, v16;
	_ =	sdelay $0x1  }
0x1ed: {  	(erf) = vpow2.f32 v16;
	_ =	sdelay $0x8  }
0x1ee: {  	v16 =	vpop (erf)  }
0x1ef: {  	v16 =	vadd.f32 $1.000000000e+00, v16;
	_ =	sdelay $0x1  }
0x1f0: {  	(erf) = vrcp.f32 v16;
	_ =	sdelay $0x4  }
0x1f1: {  	p0 =	sne.s32 s28, $0x6000  }
.Ltmp1:
0x1f2: {  	_ = 	snop;
	(pc) =	sbr.rel @p0 .LBB2_5-.Ltmp1, $3  }
0x1f3: {  	_ =	sdelay $0x1  }
0x1f4: {  	s26 =	sadd.s32 $0x10, s26;
	v16 =	vpop (erf)  }
0x1f5: {  	s25 =	sadd.s32 $0x10, s25;
	s28 =	sadd.s32 $0x2000, s28;
	[tilespmem:s24+$0x0] =	vst v16;
	s24 =	sadd.s32 $0x10, s24  }
0x1f6: {  	s23 =	sadd.s32 $0x1, s23  }
0x1f7: {  	p0 =	sne.s32 s23, $0x8  }
.Ltmp2:
0x1f8: {  	_ = 	snop;
	(pc) =	sbr.rel @p0 .LBB2_4-.Ltmp2, $2  }
0x1f9: {  	_ =	sdelay $0x2  }
0x1fa: {  	s21 =	sadd.s32 $0x40, s21;
	s20 =	sadd.s32 $0x40, s20;
	s22 =	sadd.s32 $0x40, s22  }
0x1fb: {  	s19 =	sadd.s32 $0x1, s19  }
0x1fc: {  	p0 =	sne.s32 s19, s8  }
.Ltmp3:
0x1fd: {  	_ = 	snop;
	(pc) =	sbr.rel @p0 .LBB2_1-.Ltmp3, $4  }
0x1fe: {  	[hbm4b:s7+s1] =	stream.linear.scatter [tilespmem:s18], [sflag:$0x3], $0x200, $0x38;
	[tilespmem:$0x6600] =	vst v63  }
0x1ff: {  	_ =	swait.ge [sflag:s9], $0x200  }
0x200: {  	[sflag:s9] =	ssyncset.done $0x0  }
0x201: {  	[sflag:s9] =	ssyncadd.s32 $0xFFFFFE00  }
0x202: {  	_ =	sfence.sel $0x180000  }
0x203: {  	[bflag:$0x0] =	sbarrier.arrive $0xFFFF  }
0x204: {  	p0 =	sne.s32 s2, $0x0;
	_ =	strace $0x90000047  }
0x205: {  	s0 =	sadd.s32 @!p0 $0x100000, s0;
	[bflag:$0x2] =	sbarrier.arrive $0xFFFF  }
0x206: {  	[sflag:s0] =	ssyncadd.tile.s32 @!p0 $0x1;
	_ =	shalt  }
.Lfunc_end2:
_tile_overlayer_lowered:
.L_overlay_start_2:
0x207: {  	(tag) =	ssettag $0x2  }
0x208: {  	s0 =	rddreg [dreg:$0x0];
	s2 =	stileid.u32  }
0x209: {  	s1 =	rddreg [dreg:$0x1];
	p0 =	sne.s32 s2, $0x0  }
0x20a: {  	s3 =	rddreg [dreg:$0x2];
	[bflag:$0x3] =	sbarrier.arrive $0xFFFF;
	s2 =	simm.s32 @!p0 $0x1C03  }
0x20b: {  	[timem:s3], [sflag:s2] =	dma.local @!p0 [hbm:s0], s1  }
0x20c: {  	s0 =	simm.s32 @!p0 $0x3  }
0x20d: {  	_ =	swait.ge @!p0 [sflag:s0], s1  }
0x20e: {  	s1 =	ssub.s32 @!p0 $0x0, s1;
	[sflag:s0] =	ssyncset.done @!p0 $0x0  }
0x20f: {  	[sflag:s0] =	ssyncadd.s32 @!p0 s1  }
0x210: {  	[bflag:$0x3] =	sbarrier.arrive $0xFFFF  }
0x211: {  	_ =	shalt  }

</sc_bundles>
